<compile_context>
chip_gen: v7x
topology: tpu7x:2x2x1
jax: 0.10.2.dev20260603
libtpu: 0.0.44.dev20260713+nightly
codegen_flags: <defaults>
</compile_context>

<pallas_src>
import functools

import jax
import jax.numpy as jnp
from jax import lax
from jax.experimental import pallas as pl
from jax.experimental.pallas import tpu as pltpu
from jax.experimental.pallas import tpu_sc as plsc

N_NODES = 10000
E1 = 320000
E2 = 640000
H = 128

NC = 2
NS = 16
NW = NC * NS
EPW = E1 // NW
R = E2 // NW

_mesh = plsc.VectorSubcoreMesh(core_axis_name="c", subcore_axis_name="s")
_sc_params = pltpu.CompilerParams(needs_layout_passes=False)


def _worker_id():
    return lax.axis_index("s") * NC + lax.axis_index("c")


CG = 80
NCH = EPW // CG


def _gather_body(h_hbm, te_hbm, src_hbm, dst_hbm, e2_hbm,
                 hs_hbm, hd_hbm, st_hbm,
                 isrc, idst, ie2,
                 bs0, bd0, bt0, bs1, bd1, bt1,
                 sg0, sg1, so0, so1):
    base = _worker_id() * EPW
    bufs = ((bs0, bd0, bt0), (bs1, bd1, bt1))
    gsems = (sg0, sg1)
    osems = (so0, so1)

    pltpu.sync_copy(src_hbm.at[pl.ds(base, EPW)], isrc)
    pltpu.sync_copy(dst_hbm.at[pl.ds(base, EPW)], idst)
    pltpu.sync_copy(e2_hbm.at[pl.ds(base, EPW)], ie2)

    def issue_gather(k, slot):
        bs, bd, bt = bufs[slot]
        pltpu.async_copy(h_hbm.at[isrc.at[pl.ds(k * CG, CG)]], bs, gsems[slot])
        pltpu.async_copy(h_hbm.at[idst.at[pl.ds(k * CG, CG)]], bd, gsems[slot])
        pltpu.async_copy(te_hbm.at[ie2.at[pl.ds(k * CG, CG)]], bt, gsems[slot])

    def wait_gather(slot):
        bs, bd, bt = bufs[slot]
        pltpu.make_async_copy(h_hbm.at[isrc.at[pl.ds(0, CG)]], bs, gsems[slot]).wait()
        pltpu.make_async_copy(h_hbm.at[idst.at[pl.ds(0, CG)]], bd, gsems[slot]).wait()
        pltpu.make_async_copy(te_hbm.at[ie2.at[pl.ds(0, CG)]], bt, gsems[slot]).wait()

    def issue_out(k, slot):
        bs, bd, bt = bufs[slot]
        off = base + k * CG
        pltpu.async_copy(bs, hs_hbm.at[pl.ds(off, CG)], osems[slot])
        pltpu.async_copy(bd, hd_hbm.at[pl.ds(off, CG)], osems[slot])
        pltpu.async_copy(bt, st_hbm.at[pl.ds(off, CG)], osems[slot])

    def wait_out(slot):
        bs, bd, bt = bufs[slot]
        off = base
        pltpu.make_async_copy(bs, hs_hbm.at[pl.ds(off, CG)], osems[slot]).wait()
        pltpu.make_async_copy(bd, hd_hbm.at[pl.ds(off, CG)], osems[slot]).wait()
        pltpu.make_async_copy(bt, st_hbm.at[pl.ds(off, CG)], osems[slot]).wait()

    issue_gather(0, 0)
    issue_gather(1, 1)

    def ring(i, carry):
        k0 = 2 * i
        wait_gather(0)
        issue_out(k0, 0)
        wait_gather(1)
        issue_out(k0 + 1, 1)
        wait_out(0)
        issue_gather(k0 + 2, 0)
        wait_out(1)

        @pl.when(i < (NCH - 1) // 2 - 1)
        def _():
            issue_gather(k0 + 3, 1)
        return carry

    lax.fori_loop(0, (NCH - 1) // 2, ring, 0)
    wait_gather(0)
    issue_out(NCH - 1, 0)
    wait_out(0)


_gather_call = pl.kernel(
    _gather_body,
    out_type=(
        jax.ShapeDtypeStruct((E1, H), jnp.float32),
        jax.ShapeDtypeStruct((E1, H), jnp.float32),
        jax.ShapeDtypeStruct((E1, H), jnp.float32),
    ),
    mesh=_mesh,
    scratch_types=[
        pltpu.VMEM((EPW,), jnp.int32),
        pltpu.VMEM((EPW,), jnp.int32),
        pltpu.VMEM((EPW,), jnp.int32),
        pltpu.VMEM((CG, H), jnp.float32),
        pltpu.VMEM((CG, H), jnp.float32),
        pltpu.VMEM((CG, H), jnp.float32),
        pltpu.VMEM((CG, H), jnp.float32),
        pltpu.VMEM((CG, H), jnp.float32),
        pltpu.VMEM((CG, H), jnp.float32),
        pltpu.SemaphoreType.DMA,
        pltpu.SemaphoreType.DMA,
        pltpu.SemaphoreType.DMA,
        pltpu.SemaphoreType.DMA,
    ],
    compiler_params=_sc_params,
)


BLK = 3200
NB_MLP = E1 // BLK


def _mlp_body(hs, hd, st, w1a, w1b, w1c, w2, b1, b2, out):
    x = (jnp.dot(hs[...], w1a[...], preferred_element_type=jnp.float32)
         + jnp.dot(hd[...], w1b[...], preferred_element_type=jnp.float32)
         + jnp.dot(st[...], w1c[...], preferred_element_type=jnp.float32)
         + b1[...])
    hid = x * jax.nn.sigmoid(x)
    out[...] = (st[...] + b2[...]
                + jnp.dot(hid, w2[...], preferred_element_type=jnp.float32))


def _mlp_v(hs, hd, st, w1a, w1b, w1c, w2, b1, b2):
    return pl.pallas_call(
        _mlp_body,
        grid=(NB_MLP,),
        in_specs=[
            pl.BlockSpec((BLK, H), lambda g: (g, 0)),
            pl.BlockSpec((BLK, H), lambda g: (g, 0)),
            pl.BlockSpec((BLK, H), lambda g: (g, 0)),
            pl.BlockSpec((H, H), lambda g: (0, 0)),
            pl.BlockSpec((H, H), lambda g: (0, 0)),
            pl.BlockSpec((H, H), lambda g: (0, 0)),
            pl.BlockSpec((H, H), lambda g: (0, 0)),
            pl.BlockSpec((1, H), lambda g: (0, 0)),
            pl.BlockSpec((1, H), lambda g: (0, 0)),
        ],
        out_specs=pl.BlockSpec((BLK, H), lambda g: (g, 0)),
        out_shape=jax.ShapeDtypeStruct((E1, H), jnp.float32),
    )(hs, hd, st, w1a, w1b, w1c, w2, b1, b2)


CI = 2000
NVI = CI // 16
UNR = 5
NCI = E1 // CI


def _scan_body(e2_hbm, wtab_hbm, table, ib0, ib1, si0, si1):
    sbase = _worker_id() * R
    ibufs = (ib0, ib1)
    isems = (si0, si1)

    def initb(i, carry):
        table[pl.ds(i * 16, 16)] = jnp.full((16,), -1, jnp.int32)
        return carry

    lax.fori_loop(0, R // 16, initb, 0)

    def issue_idx(k, slot):
        pltpu.async_copy(e2_hbm.at[pl.ds(k * CI, CI)], ibufs[slot], isems[slot])

    def wait_idx(slot):
        pltpu.make_async_copy(e2_hbm.at[pl.ds(0, CI)], ibufs[slot], isems[slot]).wait()

    def scan_chunk(k, slot):
        ibuf = ibufs[slot]

        def inner(i, evec):
            locs, ms, es = [], [], []
            for u in range(UNR):
                s = ibuf[pl.ds(i * (16 * UNR) + u * 16, 16)]
                loc = s - sbase
                locs.append(loc)
                ms.append(plsc.bitcast(loc, jnp.uint32) < jnp.uint32(R))
                es.append(evec + (u * 16))
            for u in range(UNR):
                plsc.store_scatter(table, [locs[u]], es[u], mask=ms[u])
            curs = [plsc.load_gather(table, [locs[u]], mask=ms[u])
                    for u in range(UNR)]
            for u in range(UNR):
                m2 = ms[u] & (es[u] > curs[u])
                plsc.store_scatter(table, [locs[u]], es[u], mask=m2)
            return evec + (16 * UNR)

        lax.fori_loop(0, NVI // UNR, inner,
                      lax.iota(jnp.int32, 16) + (k * CI))

    issue_idx(0, 0)
    issue_idx(1, 1)

    def scanring(i, carry):
        k0 = 2 * i
        wait_idx(0)
        scan_chunk(k0, 0)

        @pl.when(i < NCI // 2 - 1)
        def _():
            issue_idx(k0 + 2, 0)

        wait_idx(1)
        scan_chunk(k0 + 1, 1)

        @pl.when(i < NCI // 2 - 1)
        def _():
            issue_idx(k0 + 3, 1)
        return carry

    lax.fori_loop(0, NCI // 2, scanring, 0)
    pltpu.sync_copy(table, wtab_hbm.at[pl.ds(sbase, R)])


_scan_call = pl.kernel(
    _scan_body,
    out_type=jax.ShapeDtypeStruct((E2,), jnp.int32),
    mesh=_mesh,
    scratch_types=[
        pltpu.VMEM((R,), jnp.int32),
        pltpu.VMEM((CI,), jnp.int32),
        pltpu.VMEM((CI,), jnp.int32),
        pltpu.SemaphoreType.DMA,
        pltpu.SemaphoreType.DMA,
    ],
    compiler_params=_sc_params,
)


CBLK = 3200
NB_CP = E2 // CBLK


def _copy_body(src, out):
    out[...] = src[...]


def _copy_te(t_e2):
    return pl.pallas_call(
        _copy_body,
        grid=(NB_CP,),
        in_specs=[pl.BlockSpec((CBLK, H), lambda g: (g, 0))],
        out_specs=pl.BlockSpec((CBLK, H), lambda g: (g, 0)),
        out_shape=jax.ShapeDtypeStruct((E2, H), jnp.float32),
    )(t_e2)


GCH = 128
NCW = (R + GCH - 1) // GCH + 1


def _winner_body(wtab_hbm, v_hbm, o_hbm,
                 tbuf, ws2, we2, rb0, rb1,
                 sg0, sg1, ss0, ss1):
    sbase = _worker_id() * R
    rbufs = (rb0, rb1)
    gsems = (sg0, sg1)
    ssems = (ss0, ss1)

    pltpu.sync_copy(wtab_hbm.at[pl.ds(sbase, R)], tbuf)

    def comp(i, nwv):
        t = tbuf[pl.ds(i * 16, 16)]
        m = t >= 0
        slots = lax.iota(jnp.int32, 16) + (sbase + i * 16)
        cnt = plsc.cumsum(jnp.where(m, 1, 0))
        pos = nwv + cnt - 1
        plsc.store_scatter(ws2, [pos >> 7, pos & 127], slots, mask=m)
        plsc.store_scatter(we2, [pos >> 7, pos & 127], t, mask=m)
        return nwv + plsc.all_reduce_population_count(m)

    nwv = lax.fori_loop(0, R // 16, comp,
                        jnp.zeros((16,), jnp.int32))

    z = jnp.zeros((16,), jnp.int32)
    w0s = plsc.load_gather(ws2, [z, z])
    w0e = plsc.load_gather(we2, [z, z])
    end = ((nwv + 127) >> 7) << 7
    for j in range(GCH // 16):
        pos = nwv + lax.iota(jnp.int32, 16) + (j * 16)
        mf = pos < end
        plsc.store_scatter(ws2, [pos >> 7, pos & 127], w0s, mask=mf)
        plsc.store_scatter(we2, [pos >> 7, pos & 127], w0e, mask=mf)

    nw = jnp.max(nwv)
    nch = (nw + GCH - 1) // GCH

    def issue_gather(c, slot):
        pltpu.async_copy(v_hbm.at[we2.at[c]], rbufs[slot], gsems[slot])

    def wait_gather(slot):
        pltpu.make_async_copy(v_hbm.at[we2.at[0]], rbufs[slot], gsems[slot]).wait()

    def issue_scat(c, slot):
        pltpu.async_copy(rbufs[slot], o_hbm.at[ws2.at[c]], ssems[slot])

    def wait_scat(slot):
        pltpu.make_async_copy(rbufs[slot], o_hbm.at[ws2.at[0]], ssems[slot]).wait()

    def pair(i, carry):
        c0 = 2 * i
        c1 = c0 + 1
        issue_gather(c0, 0)

        @pl.when(c1 < nch)
        def _():
            issue_gather(c1, 1)

        wait_gather(0)
        issue_scat(c0, 0)

        @pl.when(c1 < nch)
        def _():
            wait_gather(1)
            issue_scat(c1, 1)

        wait_scat(0)

        @pl.when(c1 < nch)
        def _():
            wait_scat(1)
        return carry

    lax.fori_loop(0, (nch + 1) // 2, pair, 0)


_winner_call = pl.kernel(
    _winner_body,
    out_type=(),
    mesh=_mesh,
    scratch_types=[
        pltpu.VMEM((R,), jnp.int32),
        pltpu.VMEM((NCW, GCH), jnp.int32),
        pltpu.VMEM((NCW, GCH), jnp.int32),
        pltpu.VMEM((GCH, H), jnp.float32),
        pltpu.VMEM((GCH, H), jnp.float32),
        pltpu.SemaphoreType.DMA,
        pltpu.SemaphoreType.DMA,
        pltpu.SemaphoreType.DMA,
        pltpu.SemaphoreType.DMA,
    ],
    compiler_params=_sc_params,
)


def kernel(t_e2, h, edge_index1, e1_to_e2, W1, b1, W2, b2):
    src = edge_index1[0].astype(jnp.int32)
    dst = edge_index1[1].astype(jnp.int32)
    e2i = e1_to_e2.astype(jnp.int32)
    hs, hd, st = _gather_call(h, t_e2, src, dst, e2i)
    wtab = _scan_call(e2i)
    ocopy = _copy_te(t_e2)
    v = _mlp_v(hs, hd, st,
               W1[0:H], W1[H:2 * H], W1[2 * H:3 * H], W2,
               b1.reshape(1, H), b2.reshape(1, H))
    o_ref = jax.new_ref(ocopy)
    _winner_call(wtab, v, o_ref)
    return jax.freeze(o_ref)

# --- scband reference (transcript-rebuilt; emitter-appended) ---
"""Pipeline reference for scband-edge-htr-85323820302757 (READ-ONLY COPY).

The authoritative reference and input builder live on the scoring server;
editing this copy changes nothing except your own understanding.
"""

import jax, jax.numpy as jnp
import numpy as np

N_NODES = 10000
E1 = 320000
E2 = 640000
H = 128

def setup_inputs(seed: int = 0) -> dict:
    key = jax.random.key(seed)
    ks = jax.random.split(key, 10)
    t_e2 = jax.random.normal(ks[0], (E2, H), dtype=jnp.float32)
    h = jax.random.normal(ks[1], (N_NODES, H), dtype=jnp.float32)
    edge_index1 = jax.random.randint(ks[2], (2, E1), 0, N_NODES, dtype=jnp.int64)
    e1_to_e2 = jax.random.randint(ks[3], (E1,), 0, E2, dtype=jnp.int64)
    # mlp params: Linear(3H -> H), SiLU, Linear(H -> H)
    s1 = 1.0 / np.sqrt(3 * H)
    s2 = 1.0 / np.sqrt(H)
    W1 = jax.random.uniform(ks[4], (3 * H, H), dtype=jnp.float32, minval=-s1, maxval=s1)
    b1 = jax.random.uniform(ks[5], (H,), dtype=jnp.float32, minval=-s1, maxval=s1)
    W2 = jax.random.uniform(ks[6], (H, H), dtype=jnp.float32, minval=-s2, maxval=s2)
    b2 = jax.random.uniform(ks[7], (H,), dtype=jnp.float32, minval=-s2, maxval=s2)
    return {"t_e2": t_e2, "h": h, "edge_index1": edge_index1, "e1_to_e2": e1_to_e2,
            "W1": W1, "b1": b1, "W2": W2, "b2": b2}


def reference(t_e2, h, edge_index1, e1_to_e2, W1, b1, W2, b2):
    src1 = edge_index1[0]
    dst1 = edge_index1[1]
    sub_t = jnp.take(t_e2, e1_to_e2, axis=0)
    x = jnp.concatenate([jnp.take(h, src1, axis=0), jnp.take(h, dst1, axis=0), sub_t], axis=-1)
    hid = jax.nn.silu(x @ W1 + b1)
    delta = hid @ W2 + b2
    t_new = t_e2.at[e1_to_e2].set(sub_t + delta)
    return t_new

if __name__ == "__main__":
    import jax
    _d = setup_inputs()
    print(jax.jit(kernel)(*tuple(_d.values())))

</pallas_src>

<mosaic_0001>
#map = affine_map<(d0, d1) -> (0, 0)>
#map1 = affine_map<(d0, d1) -> (0)>
module attributes {stable_mosaic.version = 14 : i64} {
  func.func @_gather_body(%arg0: i32, %arg1: i32, %arg2: memref<10000x128xf32, #tpu.memory_space<hbm>>, %arg3: memref<640000x128xf32, #tpu.memory_space<hbm>>, %arg4: memref<320000xi32, #tpu.memory_space<hbm>>, %arg5: memref<320000xi32, #tpu.memory_space<hbm>>, %arg6: memref<320000xi32, #tpu.memory_space<hbm>>, %arg7: memref<320000x128xf32, #tpu.memory_space<hbm>>, %arg8: memref<320000x128xf32, #tpu.memory_space<hbm>>, %arg9: memref<320000x128xf32, #tpu.memory_space<hbm>>, %arg10: memref<10000xi32, #tpu.memory_space<vmem>>, %arg11: memref<10000xi32, #tpu.memory_space<vmem>>, %arg12: memref<10000xi32, #tpu.memory_space<vmem>>, %arg13: memref<80x128xf32, #tpu.memory_space<vmem>>, %arg14: memref<80x128xf32, #tpu.memory_space<vmem>>, %arg15: memref<80x128xf32, #tpu.memory_space<vmem>>, %arg16: memref<80x128xf32, #tpu.memory_space<vmem>>, %arg17: memref<80x128xf32, #tpu.memory_space<vmem>>, %arg18: memref<80x128xf32, #tpu.memory_space<vmem>>, %arg19: memref<!tpu.dma_semaphore, #tpu.memory_space<semaphore_mem>>, %arg20: memref<!tpu.dma_semaphore, #tpu.memory_space<semaphore_mem>>, %arg21: memref<!tpu.dma_semaphore, #tpu.memory_space<semaphore_mem>>, %arg22: memref<!tpu.dma_semaphore, #tpu.memory_space<semaphore_mem>>) attributes {dimension_semantics = [#tpu.dimension_semantics<core_parallel>, #tpu.dimension_semantics<subcore_parallel>], iteration_bounds = array<i64: 2, 16>, scalar_prefetch = 0 : i64, scratch_operands = 13 : i64, tpu.core_type = #tpu.core_type<sc_vector_subcore>, window_params = [{transform_indices = #map}, {transform_indices = #map}, {transform_indices = #map1}, {transform_indices = #map1}, {transform_indices = #map1}, {transform_indices = #map}, {transform_indices = #map}, {transform_indices = #map}]} {
    %mul3A = arith.constant 2 : i32
    %mul3A_0 = arith.muli %arg1, %mul3A : i32
    %add3A = arith.addi %mul3A_0, %arg0 : i32
    %mul3A_1 = arith.constant 10000 : i32
    %mul3A_2 = arith.muli %add3A, %mul3A_1 : i32
    "tpu.region"() ({
      %run_scoped3A = tpu.sem_alloc : memref<!tpu.dma_semaphore, #tpu.memory_space<semaphore_mem>>
      %dma_start3A_77 = tpu.memref_slice %arg4[%mul3A_2] : memref<320000xi32, #tpu.memory_space<hbm>> -> memref<10000xi32, #tpu.memory_space<hbm>>
      %dma_start3A_78 = tpu.memref_slice %arg4[%mul3A_2] : memref<320000xi32, #tpu.memory_space<hbm>> -> memref<10000xi32, #tpu.memory_space<hbm>>
      tpu.enqueue_dma source(%dma_start3A_78 : memref<10000xi32, #tpu.memory_space<hbm>>) target(%arg10 : memref<10000xi32, #tpu.memory_space<vmem>>) target_semaphore(%run_scoped3A : memref<!tpu.dma_semaphore, #tpu.memory_space<semaphore_mem>>)
      %dma_wait3A_79 = tpu.memref_slice %arg4[%mul3A_2] : memref<320000xi32, #tpu.memory_space<hbm>> -> memref<10000xi32, #tpu.memory_space<hbm>>
      %dma_wait3A_80 = tpu.memref_slice %arg4[%mul3A_2] : memref<320000xi32, #tpu.memory_space<hbm>> -> memref<10000xi32, #tpu.memory_space<hbm>>
      tpu.wait_dma2 semaphore(%run_scoped3A : memref<!tpu.dma_semaphore, #tpu.memory_space<semaphore_mem>>) src(%dma_wait3A_80 : memref<10000xi32, #tpu.memory_space<hbm>>) dst(%arg10 : memref<10000xi32, #tpu.memory_space<vmem>>)
      tpu.yield
    }) : () -> ()
    "tpu.region"() ({
      %run_scoped3A = tpu.sem_alloc : memref<!tpu.dma_semaphore, #tpu.memory_space<semaphore_mem>>
      %dma_start3A_77 = tpu.memref_slice %arg5[%mul3A_2] : memref<320000xi32, #tpu.memory_space<hbm>> -> memref<10000xi32, #tpu.memory_space<hbm>>
      %dma_start3A_78 = tpu.memref_slice %arg5[%mul3A_2] : memref<320000xi32, #tpu.memory_space<hbm>> -> memref<10000xi32, #tpu.memory_space<hbm>>
      tpu.enqueue_dma source(%dma_start3A_78 : memref<10000xi32, #tpu.memory_space<hbm>>) target(%arg11 : memref<10000xi32, #tpu.memory_space<vmem>>) target_semaphore(%run_scoped3A : memref<!tpu.dma_semaphore, #tpu.memory_space<semaphore_mem>>)
      %dma_wait3A_79 = tpu.memref_slice %arg5[%mul3A_2] : memref<320000xi32, #tpu.memory_space<hbm>> -> memref<10000xi32, #tpu.memory_space<hbm>>
      %dma_wait3A_80 = tpu.memref_slice %arg5[%mul3A_2] : memref<320000xi32, #tpu.memory_space<hbm>> -> memref<10000xi32, #tpu.memory_space<hbm>>
      tpu.wait_dma2 semaphore(%run_scoped3A : memref<!tpu.dma_semaphore, #tpu.memory_space<semaphore_mem>>) src(%dma_wait3A_80 : memref<10000xi32, #tpu.memory_space<hbm>>) dst(%arg11 : memref<10000xi32, #tpu.memory_space<vmem>>)
      tpu.yield
    }) : () -> ()
    "tpu.region"() ({
      %run_scoped3A = tpu.sem_alloc : memref<!tpu.dma_semaphore, #tpu.memory_space<semaphore_mem>>
      %dma_start3A_77 = tpu.memref_slice %arg6[%mul3A_2] : memref<320000xi32, #tpu.memory_space<hbm>> -> memref<10000xi32, #tpu.memory_space<hbm>>
      %dma_start3A_78 = tpu.memref_slice %arg6[%mul3A_2] : memref<320000xi32, #tpu.memory_space<hbm>> -> memref<10000xi32, #tpu.memory_space<hbm>>
      tpu.enqueue_dma source(%dma_start3A_78 : memref<10000xi32, #tpu.memory_space<hbm>>) target(%arg12 : memref<10000xi32, #tpu.memory_space<vmem>>) target_semaphore(%run_scoped3A : memref<!tpu.dma_semaphore, #tpu.memory_space<semaphore_mem>>)
      %dma_wait3A_79 = tpu.memref_slice %arg6[%mul3A_2] : memref<320000xi32, #tpu.memory_space<hbm>> -> memref<10000xi32, #tpu.memory_space<hbm>>
      %dma_wait3A_80 = tpu.memref_slice %arg6[%mul3A_2] : memref<320000xi32, #tpu.memory_space<hbm>> -> memref<10000xi32, #tpu.memory_space<hbm>>
      tpu.wait_dma2 semaphore(%run_scoped3A : memref<!tpu.dma_semaphore, #tpu.memory_space<semaphore_mem>>) src(%dma_wait3A_80 : memref<10000xi32, #tpu.memory_space<hbm>>) dst(%arg12 : memref<10000xi32, #tpu.memory_space<vmem>>)
      tpu.yield
    }) : () -> ()
    %dma_start3A = arith.constant 0 : i32
    %dma_start3A_3 = tpu.memref_slice %arg10[%dma_start3A] : memref<10000xi32, #tpu.memory_space<vmem>> -> memref<80xi32, #tpu.memory_space<vmem>>
    %dma_start3A_4 = arith.constant 0 : i32
    %dma_start3A_5 = arith.constant 0 : i32
    %dma_start3A_6 = tpu.memref_slice %arg2[%dma_start3A_4, %dma_start3A_5] : memref<10000x128xf32, #tpu.memory_space<hbm>> -> memref<10000x128xf32, #tpu.memory_space<hbm>>
    tpu.enqueue_indirect_dma source(%dma_start3A_6 : memref<10000x128xf32, #tpu.memory_space<hbm>>) target(%arg13 : memref<80x128xf32, #tpu.memory_space<vmem>>) offsets(%dma_start3A_3 : memref<80xi32, #tpu.memory_space<vmem>>) semaphore(%arg19 : memref<!tpu.dma_semaphore, #tpu.memory_space<semaphore_mem>>)
    %dma_start3A_7 = arith.constant 0 : i32
    %dma_start3A_8 = tpu.memref_slice %arg11[%dma_start3A_7] : memref<10000xi32, #tpu.memory_space<vmem>> -> memref<80xi32, #tpu.memory_space<vmem>>
    %dma_start3A_9 = arith.constant 0 : i32
    %dma_start3A_10 = arith.constant 0 : i32
    %dma_start3A_11 = tpu.memref_slice %arg2[%dma_start3A_9, %dma_start3A_10] : memref<10000x128xf32, #tpu.memory_space<hbm>> -> memref<10000x128xf32, #tpu.memory_space<hbm>>
    tpu.enqueue_indirect_dma source(%dma_start3A_11 : memref<10000x128xf32, #tpu.memory_space<hbm>>) target(%arg14 : memref<80x128xf32, #tpu.memory_space<vmem>>) offsets(%dma_start3A_8 : memref<80xi32, #tpu.memory_space<vmem>>) semaphore(%arg19 : memref<!tpu.dma_semaphore, #tpu.memory_space<semaphore_mem>>)
    %dma_start3A_12 = arith.constant 0 : i32
    %dma_start3A_13 = tpu.memref_slice %arg12[%dma_start3A_12] : memref<10000xi32, #tpu.memory_space<vmem>> -> memref<80xi32, #tpu.memory_space<vmem>>
    %dma_start3A_14 = arith.constant 0 : i32
    %dma_start3A_15 = arith.constant 0 : i32
    %dma_start3A_16 = tpu.memref_slice %arg3[%dma_start3A_14, %dma_start3A_15] : memref<640000x128xf32, #tpu.memory_space<hbm>> -> memref<640000x128xf32, #tpu.memory_space<hbm>>
    tpu.enqueue_indirect_dma source(%dma_start3A_16 : memref<640000x128xf32, #tpu.memory_space<hbm>>) target(%arg15 : memref<80x128xf32, #tpu.memory_space<vmem>>) offsets(%dma_start3A_13 : memref<80xi32, #tpu.memory_space<vmem>>) semaphore(%arg19 : memref<!tpu.dma_semaphore, #tpu.memory_space<semaphore_mem>>)
    %dma_start3A_17 = arith.constant 80 : i32
    %dma_start3A_18 = tpu.memref_slice %arg10[%dma_start3A_17] : memref<10000xi32, #tpu.memory_space<vmem>> -> memref<80xi32, #tpu.memory_space<vmem>>
    %dma_start3A_19 = arith.constant 0 : i32
    %dma_start3A_20 = arith.constant 0 : i32
    %dma_start3A_21 = tpu.memref_slice %arg2[%dma_start3A_19, %dma_start3A_20] : memref<10000x128xf32, #tpu.memory_space<hbm>> -> memref<10000x128xf32, #tpu.memory_space<hbm>>
    tpu.enqueue_indirect_dma source(%dma_start3A_21 : memref<10000x128xf32, #tpu.memory_space<hbm>>) target(%arg16 : memref<80x128xf32, #tpu.memory_space<vmem>>) offsets(%dma_start3A_18 : memref<80xi32, #tpu.memory_space<vmem>>) semaphore(%arg20 : memref<!tpu.dma_semaphore, #tpu.memory_space<semaphore_mem>>)
    %dma_start3A_22 = arith.constant 80 : i32
    %dma_start3A_23 = tpu.memref_slice %arg11[%dma_start3A_22] : memref<10000xi32, #tpu.memory_space<vmem>> -> memref<80xi32, #tpu.memory_space<vmem>>
    %dma_start3A_24 = arith.constant 0 : i32
    %dma_start3A_25 = arith.constant 0 : i32
    %dma_start3A_26 = tpu.memref_slice %arg2[%dma_start3A_24, %dma_start3A_25] : memref<10000x128xf32, #tpu.memory_space<hbm>> -> memref<10000x128xf32, #tpu.memory_space<hbm>>
    tpu.enqueue_indirect_dma source(%dma_start3A_26 : memref<10000x128xf32, #tpu.memory_space<hbm>>) target(%arg17 : memref<80x128xf32, #tpu.memory_space<vmem>>) offsets(%dma_start3A_23 : memref<80xi32, #tpu.memory_space<vmem>>) semaphore(%arg20 : memref<!tpu.dma_semaphore, #tpu.memory_space<semaphore_mem>>)
    %dma_start3A_27 = arith.constant 80 : i32
    %dma_start3A_28 = tpu.memref_slice %arg12[%dma_start3A_27] : memref<10000xi32, #tpu.memory_space<vmem>> -> memref<80xi32, #tpu.memory_space<vmem>>
    %dma_start3A_29 = arith.constant 0 : i32
    %dma_start3A_30 = arith.constant 0 : i32
    %dma_start3A_31 = tpu.memref_slice %arg3[%dma_start3A_29, %dma_start3A_30] : memref<640000x128xf32, #tpu.memory_space<hbm>> -> memref<640000x128xf32, #tpu.memory_space<hbm>>
    tpu.enqueue_indirect_dma source(%dma_start3A_31 : memref<640000x128xf32, #tpu.memory_space<hbm>>) target(%arg18 : memref<80x128xf32, #tpu.memory_space<vmem>>) offsets(%dma_start3A_28 : memref<80xi32, #tpu.memory_space<vmem>>) semaphore(%arg20 : memref<!tpu.dma_semaphore, #tpu.memory_space<semaphore_mem>>)
    %scan3A = arith.constant 0 : i32
    %scan3A_32 = arith.constant 0 : i32
    %scan3A_33 = arith.constant 62 : i32
    %scan3A_34 = arith.addi %scan3A_32, %scan3A_33 : i32
    %scan3A_35 = arith.constant 1 : i32
    scf.for %scan3A_77 = %scan3A_32 to %scan3A_34 step %scan3A_35  : i32 {
      %mul3A_78 = arith.constant 2 : i32
      %mul3A_79 = arith.muli %mul3A_78, %scan3A_77 : i32
      %dma_wait3A_80 = arith.constant 0 : i32
      %dma_wait3A_81 = tpu.memref_slice %arg10[%dma_wait3A_80] : memref<10000xi32, #tpu.memory_space<vmem>> -> memref<80xi32, #tpu.memory_space<vmem>>
      %dma_wait3A_82 = arith.constant 0 : i32
      %dma_wait3A_83 = arith.constant 0 : i32
      %dma_wait3A_84 = tpu.memref_slice %arg2[%dma_wait3A_82, %dma_wait3A_83] : memref<10000x128xf32, #tpu.memory_space<hbm>> -> memref<10000x128xf32, #tpu.memory_space<hbm>>
      tpu.wait_indirect_dma semaphore(%arg19 : memref<!tpu.dma_semaphore, #tpu.memory_space<semaphore_mem>>) src(%dma_wait3A_84 : memref<10000x128xf32, #tpu.memory_space<hbm>>) dst(%arg13 : memref<80x128xf32, #tpu.memory_space<vmem>>)
      %dma_wait3A_85 = arith.constant 0 : i32
      %dma_wait3A_86 = tpu.memref_slice %arg11[%dma_wait3A_85] : memref<10000xi32, #tpu.memory_space<vmem>> -> memref<80xi32, #tpu.memory_space<vmem>>
      %dma_wait3A_87 = arith.constant 0 : i32
      %dma_wait3A_88 = arith.constant 0 : i32
      %dma_wait3A_89 = tpu.memref_slice %arg2[%dma_wait3A_87, %dma_wait3A_88] : memref<10000x128xf32, #tpu.memory_space<hbm>> -> memref<10000x128xf32, #tpu.memory_space<hbm>>
      tpu.wait_indirect_dma semaphore(%arg19 : memref<!tpu.dma_semaphore, #tpu.memory_space<semaphore_mem>>) src(%dma_wait3A_89 : memref<10000x128xf32, #tpu.memory_space<hbm>>) dst(%arg14 : memref<80x128xf32, #tpu.memory_space<vmem>>)
      %dma_wait3A_90 = arith.constant 0 : i32
      %dma_wait3A_91 = tpu.memref_slice %arg12[%dma_wait3A_90] : memref<10000xi32, #tpu.memory_space<vmem>> -> memref<80xi32, #tpu.memory_space<vmem>>
      %dma_wait3A_92 = arith.constant 0 : i32
      %dma_wait3A_93 = arith.constant 0 : i32
      %dma_wait3A_94 = tpu.memref_slice %arg3[%dma_wait3A_92, %dma_wait3A_93] : memref<640000x128xf32, #tpu.memory_space<hbm>> -> memref<640000x128xf32, #tpu.memory_space<hbm>>
      tpu.wait_indirect_dma semaphore(%arg19 : memref<!tpu.dma_semaphore, #tpu.memory_space<semaphore_mem>>) src(%dma_wait3A_94 : memref<640000x128xf32, #tpu.memory_space<hbm>>) dst(%arg15 : memref<80x128xf32, #tpu.memory_space<vmem>>)
      %mul3A_95 = arith.constant 80 : i32
      %mul3A_96 = arith.muli %mul3A_79, %mul3A_95 : i32
      %add3A_97 = arith.addi %mul3A_2, %mul3A_96 : i32
      %dma_start3A_98 = arith.constant 0 : i32
      %dma_start3A_99 = tpu.memref_slice %arg7[%add3A_97, %dma_start3A_98] : memref<320000x128xf32, #tpu.memory_space<hbm>> -> memref<80x128xf32, #tpu.memory_space<hbm>>
      %dma_start3A_100 = arith.constant 0 : i32
      %dma_start3A_101 = tpu.memref_slice %arg7[%add3A_97, %dma_start3A_100] : memref<320000x128xf32, #tpu.memory_space<hbm>> -> memref<80x128xf32, #tpu.memory_space<hbm>>
      tpu.enqueue_dma source(%arg13 : memref<80x128xf32, #tpu.memory_space<vmem>>) target(%dma_start3A_101 : memref<80x128xf32, #tpu.memory_space<hbm>>) target_semaphore(%arg21 : memref<!tpu.dma_semaphore, #tpu.memory_space<semaphore_mem>>)
      %dma_start3A_102 = arith.constant 0 : i32
      %dma_start3A_103 = tpu.memref_slice %arg8[%add3A_97, %dma_start3A_102] : memref<320000x128xf32, #tpu.memory_space<hbm>> -> memref<80x128xf32, #tpu.memory_space<hbm>>
      %dma_start3A_104 = arith.constant 0 : i32
      %dma_start3A_105 = tpu.memref_slice %arg8[%add3A_97, %dma_start3A_104] : memref<320000x128xf32, #tpu.memory_space<hbm>> -> memref<80x128xf32, #tpu.memory_space<hbm>>
      tpu.enqueue_dma source(%arg14 : memref<80x128xf32, #tpu.memory_space<vmem>>) target(%dma_start3A_105 : memref<80x128xf32, #tpu.memory_space<hbm>>) target_semaphore(%arg21 : memref<!tpu.dma_semaphore, #tpu.memory_space<semaphore_mem>>)
      %dma_start3A_106 = arith.constant 0 : i32
      %dma_start3A_107 = tpu.memref_slice %arg9[%add3A_97, %dma_start3A_106] : memref<320000x128xf32, #tpu.memory_space<hbm>> -> memref<80x128xf32, #tpu.memory_space<hbm>>
      %dma_start3A_108 = arith.constant 0 : i32
      %dma_start3A_109 = tpu.memref_slice %arg9[%add3A_97, %dma_start3A_108] : memref<320000x128xf32, #tpu.memory_space<hbm>> -> memref<80x128xf32, #tpu.memory_space<hbm>>
      tpu.enqueue_dma source(%arg15 : memref<80x128xf32, #tpu.memory_space<vmem>>) target(%dma_start3A_109 : memref<80x128xf32, #tpu.memory_space<hbm>>) target_semaphore(%arg21 : memref<!tpu.dma_semaphore, #tpu.memory_space<semaphore_mem>>)
      %dma_wait3A_110 = arith.constant 0 : i32
      %dma_wait3A_111 = tpu.memref_slice %arg10[%dma_wait3A_110] : memref<10000xi32, #tpu.memory_space<vmem>> -> memref<80xi32, #tpu.memory_space<vmem>>
      %dma_wait3A_112 = arith.constant 0 : i32
      %dma_wait3A_113 = arith.constant 0 : i32
      %dma_wait3A_114 = tpu.memref_slice %arg2[%dma_wait3A_112, %dma_wait3A_113] : memref<10000x128xf32, #tpu.memory_space<hbm>> -> memref<10000x128xf32, #tpu.memory_space<hbm>>
      tpu.wait_indirect_dma semaphore(%arg20 : memref<!tpu.dma_semaphore, #tpu.memory_space<semaphore_mem>>) src(%dma_wait3A_114 : memref<10000x128xf32, #tpu.memory_space<hbm>>) dst(%arg16 : memref<80x128xf32, #tpu.memory_space<vmem>>)
      %dma_wait3A_115 = arith.constant 0 : i32
      %dma_wait3A_116 = tpu.memref_slice %arg11[%dma_wait3A_115] : memref<10000xi32, #tpu.memory_space<vmem>> -> memref<80xi32, #tpu.memory_space<vmem>>
      %dma_wait3A_117 = arith.constant 0 : i32
      %dma_wait3A_118 = arith.constant 0 : i32
      %dma_wait3A_119 = tpu.memref_slice %arg2[%dma_wait3A_117, %dma_wait3A_118] : memref<10000x128xf32, #tpu.memory_space<hbm>> -> memref<10000x128xf32, #tpu.memory_space<hbm>>
      tpu.wait_indirect_dma semaphore(%arg20 : memref<!tpu.dma_semaphore, #tpu.memory_space<semaphore_mem>>) src(%dma_wait3A_119 : memref<10000x128xf32, #tpu.memory_space<hbm>>) dst(%arg17 : memref<80x128xf32, #tpu.memory_space<vmem>>)
      %dma_wait3A_120 = arith.constant 0 : i32
      %dma_wait3A_121 = tpu.memref_slice %arg12[%dma_wait3A_120] : memref<10000xi32, #tpu.memory_space<vmem>> -> memref<80xi32, #tpu.memory_space<vmem>>
      %dma_wait3A_122 = arith.constant 0 : i32
      %dma_wait3A_123 = arith.constant 0 : i32
      %dma_wait3A_124 = tpu.memref_slice %arg3[%dma_wait3A_122, %dma_wait3A_123] : memref<640000x128xf32, #tpu.memory_space<hbm>> -> memref<640000x128xf32, #tpu.memory_space<hbm>>
      tpu.wait_indirect_dma semaphore(%arg20 : memref<!tpu.dma_semaphore, #tpu.memory_space<semaphore_mem>>) src(%dma_wait3A_124 : memref<640000x128xf32, #tpu.memory_space<hbm>>) dst(%arg18 : memref<80x128xf32, #tpu.memory_space<vmem>>)
      %add3A_125 = arith.constant 1 : i32
      %add3A_126 = arith.addi %mul3A_79, %add3A_125 : i32
      %mul3A_127 = arith.constant 80 : i32
      %mul3A_128 = arith.muli %add3A_126, %mul3A_127 : i32
      %add3A_129 = arith.addi %mul3A_2, %mul3A_128 : i32
      %dma_start3A_130 = arith.constant 0 : i32
      %dma_start3A_131 = tpu.memref_slice %arg7[%add3A_129, %dma_start3A_130] : memref<320000x128xf32, #tpu.memory_space<hbm>> -> memref<80x128xf32, #tpu.memory_space<hbm>>
      %dma_start3A_132 = arith.constant 0 : i32
      %dma_start3A_133 = tpu.memref_slice %arg7[%add3A_129, %dma_start3A_132] : memref<320000x128xf32, #tpu.memory_space<hbm>> -> memref<80x128xf32, #tpu.memory_space<hbm>>
      tpu.enqueue_dma source(%arg16 : memref<80x128xf32, #tpu.memory_space<vmem>>) target(%dma_start3A_133 : memref<80x128xf32, #tpu.memory_space<hbm>>) target_semaphore(%arg22 : memref<!tpu.dma_semaphore, #tpu.memory_space<semaphore_mem>>)
      %dma_start3A_134 = arith.constant 0 : i32
      %dma_start3A_135 = tpu.memref_slice %arg8[%add3A_129, %dma_start3A_134] : memref<320000x128xf32, #tpu.memory_space<hbm>> -> memref<80x128xf32, #tpu.memory_space<hbm>>
      %dma_start3A_136 = arith.constant 0 : i32
      %dma_start3A_137 = tpu.memref_slice %arg8[%add3A_129, %dma_start3A_136] : memref<320000x128xf32, #tpu.memory_space<hbm>> -> memref<80x128xf32, #tpu.memory_space<hbm>>
      tpu.enqueue_dma source(%arg17 : memref<80x128xf32, #tpu.memory_space<vmem>>) target(%dma_start3A_137 : memref<80x128xf32, #tpu.memory_space<hbm>>) target_semaphore(%arg22 : memref<!tpu.dma_semaphore, #tpu.memory_space<semaphore_mem>>)
      %dma_start3A_138 = arith.constant 0 : i32
      %dma_start3A_139 = tpu.memref_slice %arg9[%add3A_129, %dma_start3A_138] : memref<320000x128xf32, #tpu.memory_space<hbm>> -> memref<80x128xf32, #tpu.memory_space<hbm>>
      %dma_start3A_140 = arith.constant 0 : i32
      %dma_start3A_141 = tpu.memref_slice %arg9[%add3A_129, %dma_start3A_140] : memref<320000x128xf32, #tpu.memory_space<hbm>> -> memref<80x128xf32, #tpu.memory_space<hbm>>
      tpu.enqueue_dma source(%arg18 : memref<80x128xf32, #tpu.memory_space<vmem>>) target(%dma_start3A_141 : memref<80x128xf32, #tpu.memory_space<hbm>>) target_semaphore(%arg22 : memref<!tpu.dma_semaphore, #tpu.memory_space<semaphore_mem>>)
      %dma_wait3A_142 = arith.constant 0 : i32
      %dma_wait3A_143 = tpu.memref_slice %arg7[%mul3A_2, %dma_wait3A_142] : memref<320000x128xf32, #tpu.memory_space<hbm>> -> memref<80x128xf32, #tpu.memory_space<hbm>>
      %dma_wait3A_144 = arith.constant 0 : i32
      %dma_wait3A_145 = tpu.memref_slice %arg7[%mul3A_2, %dma_wait3A_144] : memref<320000x128xf32, #tpu.memory_space<hbm>> -> memref<80x128xf32, #tpu.memory_space<hbm>>
      tpu.wait_dma2 semaphore(%arg21 : memref<!tpu.dma_semaphore, #tpu.memory_space<semaphore_mem>>) src(%arg13 : memref<80x128xf32, #tpu.memory_space<vmem>>) dst(%dma_wait3A_145 : memref<80x128xf32, #tpu.memory_space<hbm>>)
      %dma_wait3A_146 = arith.constant 0 : i32
      %dma_wait3A_147 = tpu.memref_slice %arg8[%mul3A_2, %dma_wait3A_146] : memref<320000x128xf32, #tpu.memory_space<hbm>> -> memref<80x128xf32, #tpu.memory_space<hbm>>
      %dma_wait3A_148 = arith.constant 0 : i32
      %dma_wait3A_149 = tpu.memref_slice %arg8[%mul3A_2, %dma_wait3A_148] : memref<320000x128xf32, #tpu.memory_space<hbm>> -> memref<80x128xf32, #tpu.memory_space<hbm>>
      tpu.wait_dma2 semaphore(%arg21 : memref<!tpu.dma_semaphore, #tpu.memory_space<semaphore_mem>>) src(%arg14 : memref<80x128xf32, #tpu.memory_space<vmem>>) dst(%dma_wait3A_149 : memref<80x128xf32, #tpu.memory_space<hbm>>)
      %dma_wait3A_150 = arith.constant 0 : i32
      %dma_wait3A_151 = tpu.memref_slice %arg9[%mul3A_2, %dma_wait3A_150] : memref<320000x128xf32, #tpu.memory_space<hbm>> -> memref<80x128xf32, #tpu.memory_space<hbm>>
      %dma_wait3A_152 = arith.constant 0 : i32
      %dma_wait3A_153 = tpu.memref_slice %arg9[%mul3A_2, %dma_wait3A_152] : memref<320000x128xf32, #tpu.memory_space<hbm>> -> memref<80x128xf32, #tpu.memory_space<hbm>>
      tpu.wait_dma2 semaphore(%arg21 : memref<!tpu.dma_semaphore, #tpu.memory_space<semaphore_mem>>) src(%arg15 : memref<80x128xf32, #tpu.memory_space<vmem>>) dst(%dma_wait3A_153 : memref<80x128xf32, #tpu.memory_space<hbm>>)
      %add3A_154 = arith.constant 2 : i32
      %add3A_155 = arith.addi %mul3A_79, %add3A_154 : i32
      %mul3A_156 = arith.constant 80 : i32
      %mul3A_157 = arith.muli %add3A_155, %mul3A_156 : i32
      %dma_start3A_158 = tpu.memref_slice %arg10[%mul3A_157] : memref<10000xi32, #tpu.memory_space<vmem>> -> memref<80xi32, #tpu.memory_space<vmem>>
      %dma_start3A_159 = arith.constant 0 : i32
      %dma_start3A_160 = arith.constant 0 : i32
      %dma_start3A_161 = tpu.memref_slice %arg2[%dma_start3A_159, %dma_start3A_160] : memref<10000x128xf32, #tpu.memory_space<hbm>> -> memref<10000x128xf32, #tpu.memory_space<hbm>>
      tpu.enqueue_indirect_dma source(%dma_start3A_161 : memref<10000x128xf32, #tpu.memory_space<hbm>>) target(%arg13 : memref<80x128xf32, #tpu.memory_space<vmem>>) offsets(%dma_start3A_158 : memref<80xi32, #tpu.memory_space<vmem>>) semaphore(%arg19 : memref<!tpu.dma_semaphore, #tpu.memory_space<semaphore_mem>>)
      %mul3A_162 = arith.constant 80 : i32
      %mul3A_163 = arith.muli %add3A_155, %mul3A_162 : i32
      %dma_start3A_164 = tpu.memref_slice %arg11[%mul3A_163] : memref<10000xi32, #tpu.memory_space<vmem>> -> memref<80xi32, #tpu.memory_space<vmem>>
      %dma_start3A_165 = arith.constant 0 : i32
      %dma_start3A_166 = arith.constant 0 : i32
      %dma_start3A_167 = tpu.memref_slice %arg2[%dma_start3A_165, %dma_start3A_166] : memref<10000x128xf32, #tpu.memory_space<hbm>> -> memref<10000x128xf32, #tpu.memory_space<hbm>>
      tpu.enqueue_indirect_dma source(%dma_start3A_167 : memref<10000x128xf32, #tpu.memory_space<hbm>>) target(%arg14 : memref<80x128xf32, #tpu.memory_space<vmem>>) offsets(%dma_start3A_164 : memref<80xi32, #tpu.memory_space<vmem>>) semaphore(%arg19 : memref<!tpu.dma_semaphore, #tpu.memory_space<semaphore_mem>>)
      %mul3A_168 = arith.constant 80 : i32
      %mul3A_169 = arith.muli %add3A_155, %mul3A_168 : i32
      %dma_start3A_170 = tpu.memref_slice %arg12[%mul3A_169] : memref<10000xi32, #tpu.memory_space<vmem>> -> memref<80xi32, #tpu.memory_space<vmem>>
      %dma_start3A_171 = arith.constant 0 : i32
      %dma_start3A_172 = arith.constant 0 : i32
      %dma_start3A_173 = tpu.memref_slice %arg3[%dma_start3A_171, %dma_start3A_172] : memref<640000x128xf32, #tpu.memory_space<hbm>> -> memref<640000x128xf32, #tpu.memory_space<hbm>>
      tpu.enqueue_indirect_dma source(%dma_start3A_173 : memref<640000x128xf32, #tpu.memory_space<hbm>>) target(%arg15 : memref<80x128xf32, #tpu.memory_space<vmem>>) offsets(%dma_start3A_170 : memref<80xi32, #tpu.memory_space<vmem>>) semaphore(%arg19 : memref<!tpu.dma_semaphore, #tpu.memory_space<semaphore_mem>>)
      %dma_wait3A_174 = arith.constant 0 : i32
      %dma_wait3A_175 = tpu.memref_slice %arg7[%mul3A_2, %dma_wait3A_174] : memref<320000x128xf32, #tpu.memory_space<hbm>> -> memref<80x128xf32, #tpu.memory_space<hbm>>
      %dma_wait3A_176 = arith.constant 0 : i32
      %dma_wait3A_177 = tpu.memref_slice %arg7[%mul3A_2, %dma_wait3A_176] : memref<320000x128xf32, #tpu.memory_space<hbm>> -> memref<80x128xf32, #tpu.memory_space<hbm>>
      tpu.wait_dma2 semaphore(%arg22 : memref<!tpu.dma_semaphore, #tpu.memory_space<semaphore_mem>>) src(%arg16 : memref<80x128xf32, #tpu.memory_space<vmem>>) dst(%dma_wait3A_177 : memref<80x128xf32, #tpu.memory_space<hbm>>)
      %dma_wait3A_178 = arith.constant 0 : i32
      %dma_wait3A_179 = tpu.memref_slice %arg8[%mul3A_2, %dma_wait3A_178] : memref<320000x128xf32, #tpu.memory_space<hbm>> -> memref<80x128xf32, #tpu.memory_space<hbm>>
      %dma_wait3A_180 = arith.constant 0 : i32
      %dma_wait3A_181 = tpu.memref_slice %arg8[%mul3A_2, %dma_wait3A_180] : memref<320000x128xf32, #tpu.memory_space<hbm>> -> memref<80x128xf32, #tpu.memory_space<hbm>>
      tpu.wait_dma2 semaphore(%arg22 : memref<!tpu.dma_semaphore, #tpu.memory_space<semaphore_mem>>) src(%arg17 : memref<80x128xf32, #tpu.memory_space<vmem>>) dst(%dma_wait3A_181 : memref<80x128xf32, #tpu.memory_space<hbm>>)
      %dma_wait3A_182 = arith.constant 0 : i32
      %dma_wait3A_183 = tpu.memref_slice %arg9[%mul3A_2, %dma_wait3A_182] : memref<320000x128xf32, #tpu.memory_space<hbm>> -> memref<80x128xf32, #tpu.memory_space<hbm>>
      %dma_wait3A_184 = arith.constant 0 : i32
      %dma_wait3A_185 = tpu.memref_slice %arg9[%mul3A_2, %dma_wait3A_184] : memref<320000x128xf32, #tpu.memory_space<hbm>> -> memref<80x128xf32, #tpu.memory_space<hbm>>
      tpu.wait_dma2 semaphore(%arg22 : memref<!tpu.dma_semaphore, #tpu.memory_space<semaphore_mem>>) src(%arg18 : memref<80x128xf32, #tpu.memory_space<vmem>>) dst(%dma_wait3A_185 : memref<80x128xf32, #tpu.memory_space<hbm>>)
      %lt3A = arith.constant 61 : i32
      %lt3A_186 = arith.cmpi slt, %scan3A_77, %lt3A : i32
      %convert_element_type3A = arith.extui %lt3A_186 : i1 to i32
      %cond3A = arith.constant 0 : i32
      %cond3A_187 = arith.cmpi ne, %convert_element_type3A, %cond3A : i32
      scf.if %cond3A_187 {
        %add3A_188 = arith.constant 3 : i32
        %add3A_189 = arith.addi %mul3A_79, %add3A_188 : i32
        %mul3A_190 = arith.constant 80 : i32
        %mul3A_191 = arith.muli %add3A_189, %mul3A_190 : i32
        %dma_start3A_192 = tpu.memref_slice %arg10[%mul3A_191] : memref<10000xi32, #tpu.memory_space<vmem>> -> memref<80xi32, #tpu.memory_space<vmem>>
        %dma_start3A_193 = arith.constant 0 : i32
        %dma_start3A_194 = arith.constant 0 : i32
        %dma_start3A_195 = tpu.memref_slice %arg2[%dma_start3A_193, %dma_start3A_194] : memref<10000x128xf32, #tpu.memory_space<hbm>> -> memref<10000x128xf32, #tpu.memory_space<hbm>>
        tpu.enqueue_indirect_dma source(%dma_start3A_195 : memref<10000x128xf32, #tpu.memory_space<hbm>>) target(%arg16 : memref<80x128xf32, #tpu.memory_space<vmem>>) offsets(%dma_start3A_192 : memref<80xi32, #tpu.memory_space<vmem>>) semaphore(%arg20 : memref<!tpu.dma_semaphore, #tpu.memory_space<semaphore_mem>>)
        %mul3A_196 = arith.constant 80 : i32
        %mul3A_197 = arith.muli %add3A_189, %mul3A_196 : i32
        %dma_start3A_198 = tpu.memref_slice %arg11[%mul3A_197] : memref<10000xi32, #tpu.memory_space<vmem>> -> memref<80xi32, #tpu.memory_space<vmem>>
        %dma_start3A_199 = arith.constant 0 : i32
        %dma_start3A_200 = arith.constant 0 : i32
        %dma_start3A_201 = tpu.memref_slice %arg2[%dma_start3A_199, %dma_start3A_200] : memref<10000x128xf32, #tpu.memory_space<hbm>> -> memref<10000x128xf32, #tpu.memory_space<hbm>>
        tpu.enqueue_indirect_dma source(%dma_start3A_201 : memref<10000x128xf32, #tpu.memory_space<hbm>>) target(%arg17 : memref<80x128xf32, #tpu.memory_space<vmem>>) offsets(%dma_start3A_198 : memref<80xi32, #tpu.memory_space<vmem>>) semaphore(%arg20 : memref<!tpu.dma_semaphore, #tpu.memory_space<semaphore_mem>>)
        %mul3A_202 = arith.constant 80 : i32
        %mul3A_203 = arith.muli %add3A_189, %mul3A_202 : i32
        %dma_start3A_204 = tpu.memref_slice %arg12[%mul3A_203] : memref<10000xi32, #tpu.memory_space<vmem>> -> memref<80xi32, #tpu.memory_space<vmem>>
        %dma_start3A_205 = arith.constant 0 : i32
        %dma_start3A_206 = arith.constant 0 : i32
        %dma_start3A_207 = tpu.memref_slice %arg3[%dma_start3A_205, %dma_start3A_206] : memref<640000x128xf32, #tpu.memory_space<hbm>> -> memref<640000x128xf32, #tpu.memory_space<hbm>>
        tpu.enqueue_indirect_dma source(%dma_start3A_207 : memref<640000x128xf32, #tpu.memory_space<hbm>>) target(%arg18 : memref<80x128xf32, #tpu.memory_space<vmem>>) offsets(%dma_start3A_204 : memref<80xi32, #tpu.memory_space<vmem>>) semaphore(%arg20 : memref<!tpu.dma_semaphore, #tpu.memory_space<semaphore_mem>>)
      } else {
      }
    }
    %scan3A_36 = arith.constant 62 : i32
    %dma_wait3A = arith.constant 0 : i32
    %dma_wait3A_37 = tpu.memref_slice %arg10[%dma_wait3A] : memref<10000xi32, #tpu.memory_space<vmem>> -> memref<80xi32, #tpu.memory_space<vmem>>
    %dma_wait3A_38 = arith.constant 0 : i32
    %dma_wait3A_39 = arith.constant 0 : i32
    %dma_wait3A_40 = tpu.memref_slice %arg2[%dma_wait3A_38, %dma_wait3A_39] : memref<10000x128xf32, #tpu.memory_space<hbm>> -> memref<10000x128xf32, #tpu.memory_space<hbm>>
    tpu.wait_indirect_dma semaphore(%arg19 : memref<!tpu.dma_semaphore, #tpu.memory_space<semaphore_mem>>) src(%dma_wait3A_40 : memref<10000x128xf32, #tpu.memory_space<hbm>>) dst(%arg13 : memref<80x128xf32, #tpu.memory_space<vmem>>)
    %dma_wait3A_41 = arith.constant 0 : i32
    %dma_wait3A_42 = tpu.memref_slice %arg11[%dma_wait3A_41] : memref<10000xi32, #tpu.memory_space<vmem>> -> memref<80xi32, #tpu.memory_space<vmem>>
    %dma_wait3A_43 = arith.constant 0 : i32
    %dma_wait3A_44 = arith.constant 0 : i32
    %dma_wait3A_45 = tpu.memref_slice %arg2[%dma_wait3A_43, %dma_wait3A_44] : memref<10000x128xf32, #tpu.memory_space<hbm>> -> memref<10000x128xf32, #tpu.memory_space<hbm>>
    tpu.wait_indirect_dma semaphore(%arg19 : memref<!tpu.dma_semaphore, #tpu.memory_space<semaphore_mem>>) src(%dma_wait3A_45 : memref<10000x128xf32, #tpu.memory_space<hbm>>) dst(%arg14 : memref<80x128xf32, #tpu.memory_space<vmem>>)
    %dma_wait3A_46 = arith.constant 0 : i32
    %dma_wait3A_47 = tpu.memref_slice %arg12[%dma_wait3A_46] : memref<10000xi32, #tpu.memory_space<vmem>> -> memref<80xi32, #tpu.memory_space<vmem>>
    %dma_wait3A_48 = arith.constant 0 : i32
    %dma_wait3A_49 = arith.constant 0 : i32
    %dma_wait3A_50 = tpu.memref_slice %arg3[%dma_wait3A_48, %dma_wait3A_49] : memref<640000x128xf32, #tpu.memory_space<hbm>> -> memref<640000x128xf32, #tpu.memory_space<hbm>>
    tpu.wait_indirect_dma semaphore(%arg19 : memref<!tpu.dma_semaphore, #tpu.memory_space<semaphore_mem>>) src(%dma_wait3A_50 : memref<640000x128xf32, #tpu.memory_space<hbm>>) dst(%arg15 : memref<80x128xf32, #tpu.memory_space<vmem>>)
    %add3A_51 = arith.constant 9920 : i32
    %add3A_52 = arith.addi %mul3A_2, %add3A_51 : i32
    %dma_start3A_53 = arith.constant 0 : i32
    %dma_start3A_54 = tpu.memref_slice %arg7[%add3A_52, %dma_start3A_53] : memref<320000x128xf32, #tpu.memory_space<hbm>> -> memref<80x128xf32, #tpu.memory_space<hbm>>
    %dma_start3A_55 = arith.constant 0 : i32
    %dma_start3A_56 = tpu.memref_slice %arg7[%add3A_52, %dma_start3A_55] : memref<320000x128xf32, #tpu.memory_space<hbm>> -> memref<80x128xf32, #tpu.memory_space<hbm>>
    tpu.enqueue_dma source(%arg13 : memref<80x128xf32, #tpu.memory_space<vmem>>) target(%dma_start3A_56 : memref<80x128xf32, #tpu.memory_space<hbm>>) target_semaphore(%arg21 : memref<!tpu.dma_semaphore, #tpu.memory_space<semaphore_mem>>)
    %dma_start3A_57 = arith.constant 0 : i32
    %dma_start3A_58 = tpu.memref_slice %arg8[%add3A_52, %dma_start3A_57] : memref<320000x128xf32, #tpu.memory_space<hbm>> -> memref<80x128xf32, #tpu.memory_space<hbm>>
    %dma_start3A_59 = arith.constant 0 : i32
    %dma_start3A_60 = tpu.memref_slice %arg8[%add3A_52, %dma_start3A_59] : memref<320000x128xf32, #tpu.memory_space<hbm>> -> memref<80x128xf32, #tpu.memory_space<hbm>>
    tpu.enqueue_dma source(%arg14 : memref<80x128xf32, #tpu.memory_space<vmem>>) target(%dma_start3A_60 : memref<80x128xf32, #tpu.memory_space<hbm>>) target_semaphore(%arg21 : memref<!tpu.dma_semaphore, #tpu.memory_space<semaphore_mem>>)
    %dma_start3A_61 = arith.constant 0 : i32
    %dma_start3A_62 = tpu.memref_slice %arg9[%add3A_52, %dma_start3A_61] : memref<320000x128xf32, #tpu.memory_space<hbm>> -> memref<80x128xf32, #tpu.memory_space<hbm>>
    %dma_start3A_63 = arith.constant 0 : i32
    %dma_start3A_64 = tpu.memref_slice %arg9[%add3A_52, %dma_start3A_63] : memref<320000x128xf32, #tpu.memory_space<hbm>> -> memref<80x128xf32, #tpu.memory_space<hbm>>
    tpu.enqueue_dma source(%arg15 : memref<80x128xf32, #tpu.memory_space<vmem>>) target(%dma_start3A_64 : memref<80x128xf32, #tpu.memory_space<hbm>>) target_semaphore(%arg21 : memref<!tpu.dma_semaphore, #tpu.memory_space<semaphore_mem>>)
    %dma_wait3A_65 = arith.constant 0 : i32
    %dma_wait3A_66 = tpu.memref_slice %arg7[%mul3A_2, %dma_wait3A_65] : memref<320000x128xf32, #tpu.memory_space<hbm>> -> memref<80x128xf32, #tpu.memory_space<hbm>>
    %dma_wait3A_67 = arith.constant 0 : i32
    %dma_wait3A_68 = tpu.memref_slice %arg7[%mul3A_2, %dma_wait3A_67] : memref<320000x128xf32, #tpu.memory_space<hbm>> -> memref<80x128xf32, #tpu.memory_space<hbm>>
    tpu.wait_dma2 semaphore(%arg21 : memref<!tpu.dma_semaphore, #tpu.memory_space<semaphore_mem>>) src(%arg13 : memref<80x128xf32, #tpu.memory_space<vmem>>) dst(%dma_wait3A_68 : memref<80x128xf32, #tpu.memory_space<hbm>>)
    %dma_wait3A_69 = arith.constant 0 : i32
    %dma_wait3A_70 = tpu.memref_slice %arg8[%mul3A_2, %dma_wait3A_69] : memref<320000x128xf32, #tpu.memory_space<hbm>> -> memref<80x128xf32, #tpu.memory_space<hbm>>
    %dma_wait3A_71 = arith.constant 0 : i32
    %dma_wait3A_72 = tpu.memref_slice %arg8[%mul3A_2, %dma_wait3A_71] : memref<320000x128xf32, #tpu.memory_space<hbm>> -> memref<80x128xf32, #tpu.memory_space<hbm>>
    tpu.wait_dma2 semaphore(%arg21 : memref<!tpu.dma_semaphore, #tpu.memory_space<semaphore_mem>>) src(%arg14 : memref<80x128xf32, #tpu.memory_space<vmem>>) dst(%dma_wait3A_72 : memref<80x128xf32, #tpu.memory_space<hbm>>)
    %dma_wait3A_73 = arith.constant 0 : i32
    %dma_wait3A_74 = tpu.memref_slice %arg9[%mul3A_2, %dma_wait3A_73] : memref<320000x128xf32, #tpu.memory_space<hbm>> -> memref<80x128xf32, #tpu.memory_space<hbm>>
    %dma_wait3A_75 = arith.constant 0 : i32
    %dma_wait3A_76 = tpu.memref_slice %arg9[%mul3A_2, %dma_wait3A_75] : memref<320000x128xf32, #tpu.memory_space<hbm>> -> memref<80x128xf32, #tpu.memory_space<hbm>>
    tpu.wait_dma2 semaphore(%arg21 : memref<!tpu.dma_semaphore, #tpu.memory_space<semaphore_mem>>) src(%arg15 : memref<80x128xf32, #tpu.memory_space<vmem>>) dst(%dma_wait3A_76 : memref<80x128xf32, #tpu.memory_space<hbm>>)
    return
  }
}

#map = affine_map<(d0, d1) -> (0)>
module attributes {stable_mosaic.version = 14 : i64} {
  func.func @_scan_body(%arg0: i32, %arg1: i32, %arg2: memref<320000xi32, #tpu.memory_space<hbm>>, %arg3: memref<640000xi32, #tpu.memory_space<hbm>>, %arg4: memref<20000xi32, #tpu.memory_space<vmem>>, %arg5: memref<2000xi32, #tpu.memory_space<vmem>>, %arg6: memref<2000xi32, #tpu.memory_space<vmem>>, %arg7: memref<!tpu.dma_semaphore, #tpu.memory_space<semaphore_mem>>, %arg8: memref<!tpu.dma_semaphore, #tpu.memory_space<semaphore_mem>>) attributes {dimension_semantics = [#tpu.dimension_semantics<core_parallel>, #tpu.dimension_semantics<subcore_parallel>], iteration_bounds = array<i64: 2, 16>, scalar_prefetch = 0 : i64, scratch_operands = 5 : i64, tpu.core_type = #tpu.core_type<sc_vector_subcore>, window_params = [{transform_indices = #map}, {transform_indices = #map}]} {
    %mul3A = arith.constant 2 : i32
    %mul3A_0 = arith.muli %arg1, %mul3A : i32
    %add3A = arith.addi %mul3A_0, %arg0 : i32
    %mul3A_1 = arith.constant 20000 : i32
    %mul3A_2 = arith.muli %add3A, %mul3A_1 : i32
    %scan3A = arith.constant 0 : i32
    %scan3A_3 = arith.constant 0 : i32
    %scan3A_4 = arith.constant 1250 : i32
    %scan3A_5 = arith.addi %scan3A_3, %scan3A_4 : i32
    %scan3A_6 = arith.constant 1 : i32
    scf.for %scan3A_21 = %scan3A_3 to %scan3A_5 step %scan3A_6  : i32 {
      %broadcast_in_dim3A = arith.constant -1 : i32
      %broadcast_in_dim3A_22 = vector.broadcast %broadcast_in_dim3A : i32 to vector<16xi32>
      %mul3A_23 = arith.constant 16 : i32
      %mul3A_24 = arith.muli %scan3A_21, %mul3A_23 : i32
      %swap3A = arith.index_cast %mul3A_24 : i32 to index
      %swap3A_25 = tpu.vector_load %arg4[%swap3A] {strides = array<i32>} : memref<20000xi32, #tpu.memory_space<vmem>>, vector<16xi32>,
      tpu.vector_store %arg4[%swap3A], %broadcast_in_dim3A_22 {strides = array<i32>} : memref<20000xi32, #tpu.memory_space<vmem>>, vector<16xi32>,
    }
    %scan3A_7 = arith.constant 1250 : i32
    %dma_start3A = arith.constant 0 : i32
    %dma_start3A_8 = tpu.memref_slice %arg2[%dma_start3A] : memref<320000xi32, #tpu.memory_space<hbm>> -> memref<2000xi32, #tpu.memory_space<hbm>>
    %dma_start3A_9 = arith.constant 0 : i32
    %dma_start3A_10 = tpu.memref_slice %arg2[%dma_start3A_9] : memref<320000xi32, #tpu.memory_space<hbm>> -> memref<2000xi32, #tpu.memory_space<hbm>>
    tpu.enqueue_dma source(%dma_start3A_10 : memref<2000xi32, #tpu.memory_space<hbm>>) target(%arg5 : memref<2000xi32, #tpu.memory_space<vmem>>) target_semaphore(%arg7 : memref<!tpu.dma_semaphore, #tpu.memory_space<semaphore_mem>>)
    %dma_start3A_11 = arith.constant 2000 : i32
    %dma_start3A_12 = tpu.memref_slice %arg2[%dma_start3A_11] : memref<320000xi32, #tpu.memory_space<hbm>> -> memref<2000xi32, #tpu.memory_space<hbm>>
    %dma_start3A_13 = arith.constant 2000 : i32
    %dma_start3A_14 = tpu.memref_slice %arg2[%dma_start3A_13] : memref<320000xi32, #tpu.memory_space<hbm>> -> memref<2000xi32, #tpu.memory_space<hbm>>
    tpu.enqueue_dma source(%dma_start3A_14 : memref<2000xi32, #tpu.memory_space<hbm>>) target(%arg6 : memref<2000xi32, #tpu.memory_space<vmem>>) target_semaphore(%arg8 : memref<!tpu.dma_semaphore, #tpu.memory_space<semaphore_mem>>)
    %scan3A_15 = arith.constant 0 : i32
    %scan3A_16 = arith.constant 0 : i32
    %scan3A_17 = arith.constant 80 : i32
    %scan3A_18 = arith.addi %scan3A_16, %scan3A_17 : i32
    %scan3A_19 = arith.constant 1 : i32
    scf.for %scan3A_21 = %scan3A_16 to %scan3A_18 step %scan3A_19  : i32 {
      %mul3A_22 = arith.constant 2 : i32
      %mul3A_23 = arith.muli %mul3A_22, %scan3A_21 : i32
      %dma_wait3A = arith.constant 0 : i32
      %dma_wait3A_24 = tpu.memref_slice %arg2[%dma_wait3A] : memref<320000xi32, #tpu.memory_space<hbm>> -> memref<2000xi32, #tpu.memory_space<hbm>>
      %dma_wait3A_25 = arith.constant 0 : i32
      %dma_wait3A_26 = tpu.memref_slice %arg2[%dma_wait3A_25] : memref<320000xi32, #tpu.memory_space<hbm>> -> memref<2000xi32, #tpu.memory_space<hbm>>
      tpu.wait_dma2 semaphore(%arg7 : memref<!tpu.dma_semaphore, #tpu.memory_space<semaphore_mem>>) src(%dma_wait3A_26 : memref<2000xi32, #tpu.memory_space<hbm>>) dst(%arg5 : memref<2000xi32, #tpu.memory_space<vmem>>)
      %iota3A = tpu.iota {dimensions = array<i32: 0>} : vector<16xi32>
      %mul3A_27 = arith.constant 2000 : i32
      %mul3A_28 = arith.muli %mul3A_23, %mul3A_27 : i32
      %add3A_29 = vector.broadcast %mul3A_28 : i32 to vector<16xi32>
      %add3A_30 = arith.addi %iota3A, %add3A_29 : vector<16xi32>
      %scan3A_31 = arith.constant 0 : i32
      %scan3A_32 = arith.constant 25 : i32
      %scan3A_33 = arith.addi %scan3A_31, %scan3A_32 : i32
      %scan3A_34 = arith.constant 1 : i32
      %scan3A_35 = scf.for %scan3A_61 = %scan3A_31 to %scan3A_33 step %scan3A_34 iter_args(%scan3A_62 = %add3A_30) -> (vector<16xi32>)  : i32 {
        %mul3A_63 = arith.constant 80 : i32
        %mul3A_64 = arith.muli %scan3A_61, %mul3A_63 : i32
        %add3A_65 = arith.constant 0 : i32
        %add3A_66 = arith.addi %mul3A_64, %add3A_65 : i32
        %get3A = arith.index_cast %add3A_66 : i32 to index
        %get3A_67 = tpu.vector_load %arg5[%get3A] {strides = array<i32>} : memref<2000xi32, #tpu.memory_space<vmem>>, vector<16xi32>,
        %sub3A = vector.broadcast %mul3A_2 : i32 to vector<16xi32>
        %sub3A_68 = arith.subi %get3A_67, %sub3A : vector<16xi32>
        %bitcast3A = vector.bitcast %sub3A_68 : vector<16xi32> to vector<16xi32>
        %lt3A_69 = arith.constant 20000 : i32
        %lt3A_70 = vector.broadcast %lt3A_69 : i32 to vector<16xi32>
        %lt3A_71 = arith.cmpi ult, %bitcast3A, %lt3A_70 : vector<16xi32>
        %add3A_72 = arith.constant 0 : i32
        %add3A_73 = vector.broadcast %add3A_72 : i32 to vector<16xi32>
        %add3A_74 = arith.addi %scan3A_62, %add3A_73 : vector<16xi32>
        %mul3A_75 = arith.constant 80 : i32
        %mul3A_76 = arith.muli %scan3A_61, %mul3A_75 : i32
        %add3A_77 = arith.constant 16 : i32
        %add3A_78 = arith.addi %mul3A_76, %add3A_77 : i32
        %get3A_79 = arith.index_cast %add3A_78 : i32 to index
        %get3A_80 = tpu.vector_load %arg5[%get3A_79] {strides = array<i32>} : memref<2000xi32, #tpu.memory_space<vmem>>, vector<16xi32>,
        %sub3A_81 = vector.broadcast %mul3A_2 : i32 to vector<16xi32>
        %sub3A_82 = arith.subi %get3A_80, %sub3A_81 : vector<16xi32>
        %bitcast3A_83 = vector.bitcast %sub3A_82 : vector<16xi32> to vector<16xi32>
        %lt3A_84 = arith.constant 20000 : i32
        %lt3A_85 = vector.broadcast %lt3A_84 : i32 to vector<16xi32>
        %lt3A_86 = arith.cmpi ult, %bitcast3A_83, %lt3A_85 : vector<16xi32>
        %add3A_87 = arith.constant 16 : i32
        %add3A_88 = vector.broadcast %add3A_87 : i32 to vector<16xi32>
        %add3A_89 = arith.addi %scan3A_62, %add3A_88 : vector<16xi32>
        %mul3A_90 = arith.constant 80 : i32
        %mul3A_91 = arith.muli %scan3A_61, %mul3A_90 : i32
        %add3A_92 = arith.constant 32 : i32
        %add3A_93 = arith.addi %mul3A_91, %add3A_92 : i32
        %get3A_94 = arith.index_cast %add3A_93 : i32 to index
        %get3A_95 = tpu.vector_load %arg5[%get3A_94] {strides = array<i32>} : memref<2000xi32, #tpu.memory_space<vmem>>, vector<16xi32>,
        %sub3A_96 = vector.broadcast %mul3A_2 : i32 to vector<16xi32>
        %sub3A_97 = arith.subi %get3A_95, %sub3A_96 : vector<16xi32>
        %bitcast3A_98 = vector.bitcast %sub3A_97 : vector<16xi32> to vector<16xi32>
        %lt3A_99 = arith.constant 20000 : i32
        %lt3A_100 = vector.broadcast %lt3A_99 : i32 to vector<16xi32>
        %lt3A_101 = arith.cmpi ult, %bitcast3A_98, %lt3A_100 : vector<16xi32>
        %add3A_102 = arith.constant 32 : i32
        %add3A_103 = vector.broadcast %add3A_102 : i32 to vector<16xi32>
        %add3A_104 = arith.addi %scan3A_62, %add3A_103 : vector<16xi32>
        %mul3A_105 = arith.constant 80 : i32
        %mul3A_106 = arith.muli %scan3A_61, %mul3A_105 : i32
        %add3A_107 = arith.constant 48 : i32
        %add3A_108 = arith.addi %mul3A_106, %add3A_107 : i32
        %get3A_109 = arith.index_cast %add3A_108 : i32 to index
        %get3A_110 = tpu.vector_load %arg5[%get3A_109] {strides = array<i32>} : memref<2000xi32, #tpu.memory_space<vmem>>, vector<16xi32>,
        %sub3A_111 = vector.broadcast %mul3A_2 : i32 to vector<16xi32>
        %sub3A_112 = arith.subi %get3A_110, %sub3A_111 : vector<16xi32>
        %bitcast3A_113 = vector.bitcast %sub3A_112 : vector<16xi32> to vector<16xi32>
        %lt3A_114 = arith.constant 20000 : i32
        %lt3A_115 = vector.broadcast %lt3A_114 : i32 to vector<16xi32>
        %lt3A_116 = arith.cmpi ult, %bitcast3A_113, %lt3A_115 : vector<16xi32>
        %add3A_117 = arith.constant 48 : i32
        %add3A_118 = vector.broadcast %add3A_117 : i32 to vector<16xi32>
        %add3A_119 = arith.addi %scan3A_62, %add3A_118 : vector<16xi32>
        %mul3A_120 = arith.constant 80 : i32
        %mul3A_121 = arith.muli %scan3A_61, %mul3A_120 : i32
        %add3A_122 = arith.constant 64 : i32
        %add3A_123 = arith.addi %mul3A_121, %add3A_122 : i32
        %get3A_124 = arith.index_cast %add3A_123 : i32 to index
        %get3A_125 = tpu.vector_load %arg5[%get3A_124] {strides = array<i32>} : memref<2000xi32, #tpu.memory_space<vmem>>, vector<16xi32>,
        %sub3A_126 = vector.broadcast %mul3A_2 : i32 to vector<16xi32>
        %sub3A_127 = arith.subi %get3A_125, %sub3A_126 : vector<16xi32>
        %bitcast3A_128 = vector.bitcast %sub3A_127 : vector<16xi32> to vector<16xi32>
        %lt3A_129 = arith.constant 20000 : i32
        %lt3A_130 = vector.broadcast %lt3A_129 : i32 to vector<16xi32>
        %lt3A_131 = arith.cmpi ult, %bitcast3A_128, %lt3A_130 : vector<16xi32>
        %add3A_132 = arith.constant 64 : i32
        %add3A_133 = vector.broadcast %add3A_132 : i32 to vector<16xi32>
        %add3A_134 = arith.addi %scan3A_62, %add3A_133 : vector<16xi32>
        tpu.vector_store_idx %arg4[%sub3A_68], %add3A_74 masked %lt3A_71 : memref<20000xi32, #tpu.memory_space<vmem>>[vector<16xi32>], vector<16xi32>, vector<16xi1>
        tpu.vector_store_idx %arg4[%sub3A_82], %add3A_89 masked %lt3A_86 : memref<20000xi32, #tpu.memory_space<vmem>>[vector<16xi32>], vector<16xi32>, vector<16xi1>
        tpu.vector_store_idx %arg4[%sub3A_97], %add3A_104 masked %lt3A_101 : memref<20000xi32, #tpu.memory_space<vmem>>[vector<16xi32>], vector<16xi32>, vector<16xi1>
        tpu.vector_store_idx %arg4[%sub3A_112], %add3A_119 masked %lt3A_116 : memref<20000xi32, #tpu.memory_space<vmem>>[vector<16xi32>], vector<16xi32>, vector<16xi1>
        tpu.vector_store_idx %arg4[%sub3A_127], %add3A_134 masked %lt3A_131 : memref<20000xi32, #tpu.memory_space<vmem>>[vector<16xi32>], vector<16xi32>, vector<16xi1>
        %gather3A = tpu.vector_load_idx %arg4[%sub3A_68] masked %lt3A_71 : memref<20000xi32, #tpu.memory_space<vmem>>[vector<16xi32>], vector<16xi32>, vector<16xi1>
        %gather3A_135 = tpu.vector_load_idx %arg4[%sub3A_82] masked %lt3A_86 : memref<20000xi32, #tpu.memory_space<vmem>>[vector<16xi32>], vector<16xi32>, vector<16xi1>
        %gather3A_136 = tpu.vector_load_idx %arg4[%sub3A_97] masked %lt3A_101 : memref<20000xi32, #tpu.memory_space<vmem>>[vector<16xi32>], vector<16xi32>, vector<16xi1>
        %gather3A_137 = tpu.vector_load_idx %arg4[%sub3A_112] masked %lt3A_116 : memref<20000xi32, #tpu.memory_space<vmem>>[vector<16xi32>], vector<16xi32>, vector<16xi1>
        %gather3A_138 = tpu.vector_load_idx %arg4[%sub3A_127] masked %lt3A_131 : memref<20000xi32, #tpu.memory_space<vmem>>[vector<16xi32>], vector<16xi32>, vector<16xi1>
        %gt3A = arith.cmpi sgt, %add3A_74, %gather3A : vector<16xi32>
        %and3A = arith.andi %lt3A_71, %gt3A : vector<16xi1>
        tpu.vector_store_idx %arg4[%sub3A_68], %add3A_74 masked %and3A : memref<20000xi32, #tpu.memory_space<vmem>>[vector<16xi32>], vector<16xi32>, vector<16xi1>
        %gt3A_139 = arith.cmpi sgt, %add3A_89, %gather3A_135 : vector<16xi32>
        %and3A_140 = arith.andi %lt3A_86, %gt3A_139 : vector<16xi1>
        tpu.vector_store_idx %arg4[%sub3A_82], %add3A_89 masked %and3A_140 : memref<20000xi32, #tpu.memory_space<vmem>>[vector<16xi32>], vector<16xi32>, vector<16xi1>
        %gt3A_141 = arith.cmpi sgt, %add3A_104, %gather3A_136 : vector<16xi32>
        %and3A_142 = arith.andi %lt3A_101, %gt3A_141 : vector<16xi1>
        tpu.vector_store_idx %arg4[%sub3A_97], %add3A_104 masked %and3A_142 : memref<20000xi32, #tpu.memory_space<vmem>>[vector<16xi32>], vector<16xi32>, vector<16xi1>
        %gt3A_143 = arith.cmpi sgt, %add3A_119, %gather3A_137 : vector<16xi32>
        %and3A_144 = arith.andi %lt3A_116, %gt3A_143 : vector<16xi1>
        tpu.vector_store_idx %arg4[%sub3A_112], %add3A_119 masked %and3A_144 : memref<20000xi32, #tpu.memory_space<vmem>>[vector<16xi32>], vector<16xi32>, vector<16xi1>
        %gt3A_145 = arith.cmpi sgt, %add3A_134, %gather3A_138 : vector<16xi32>
        %and3A_146 = arith.andi %lt3A_131, %gt3A_145 : vector<16xi1>
        tpu.vector_store_idx %arg4[%sub3A_127], %add3A_134 masked %and3A_146 : memref<20000xi32, #tpu.memory_space<vmem>>[vector<16xi32>], vector<16xi32>, vector<16xi1>
        %add3A_147 = arith.constant 80 : i32
        %add3A_148 = vector.broadcast %add3A_147 : i32 to vector<16xi32>
        %add3A_149 = arith.addi %scan3A_62, %add3A_148 : vector<16xi32>
        scf.yield %add3A_149 : vector<16xi32>
      }
      %scan3A_36 = arith.constant 25 : i32
      %lt3A = arith.constant 79 : i32
      %lt3A_37 = arith.cmpi slt, %scan3A_21, %lt3A : i32
      %convert_element_type3A = arith.extui %lt3A_37 : i1 to i32
      %cond3A = arith.constant 0 : i32
      %cond3A_38 = arith.cmpi ne, %convert_element_type3A, %cond3A : i32
      scf.if %cond3A_38 {
        %add3A_61 = arith.constant 2 : i32
        %add3A_62 = arith.addi %mul3A_23, %add3A_61 : i32
        %mul3A_63 = arith.constant 2000 : i32
        %mul3A_64 = arith.muli %add3A_62, %mul3A_63 : i32
        %dma_start3A_65 = tpu.memref_slice %arg2[%mul3A_64] : memref<320000xi32, #tpu.memory_space<hbm>> -> memref<2000xi32, #tpu.memory_space<hbm>>
        %dma_start3A_66 = tpu.memref_slice %arg2[%mul3A_64] : memref<320000xi32, #tpu.memory_space<hbm>> -> memref<2000xi32, #tpu.memory_space<hbm>>
        tpu.enqueue_dma source(%dma_start3A_66 : memref<2000xi32, #tpu.memory_space<hbm>>) target(%arg5 : memref<2000xi32, #tpu.memory_space<vmem>>) target_semaphore(%arg7 : memref<!tpu.dma_semaphore, #tpu.memory_space<semaphore_mem>>)
      } else {
      }
      %dma_wait3A_39 = arith.constant 0 : i32
      %dma_wait3A_40 = tpu.memref_slice %arg2[%dma_wait3A_39] : memref<320000xi32, #tpu.memory_space<hbm>> -> memref<2000xi32, #tpu.memory_space<hbm>>
      %dma_wait3A_41 = arith.constant 0 : i32
      %dma_wait3A_42 = tpu.memref_slice %arg2[%dma_wait3A_41] : memref<320000xi32, #tpu.memory_space<hbm>> -> memref<2000xi32, #tpu.memory_space<hbm>>
      tpu.wait_dma2 semaphore(%arg8 : memref<!tpu.dma_semaphore, #tpu.memory_space<semaphore_mem>>) src(%dma_wait3A_42 : memref<2000xi32, #tpu.memory_space<hbm>>) dst(%arg6 : memref<2000xi32, #tpu.memory_space<vmem>>)
      %add3A_43 = arith.constant 1 : i32
      %add3A_44 = arith.addi %mul3A_23, %add3A_43 : i32
      %iota3A_45 = tpu.iota {dimensions = array<i32: 0>} : vector<16xi32>
      %mul3A_46 = arith.constant 2000 : i32
      %mul3A_47 = arith.muli %add3A_44, %mul3A_46 : i32
      %add3A_48 = vector.broadcast %mul3A_47 : i32 to vector<16xi32>
      %add3A_49 = arith.addi %iota3A_45, %add3A_48 : vector<16xi32>
      %scan3A_50 = arith.constant 0 : i32
      %scan3A_51 = arith.constant 25 : i32
      %scan3A_52 = arith.addi %scan3A_50, %scan3A_51 : i32
      %scan3A_53 = arith.constant 1 : i32
      %scan3A_54 = scf.for %scan3A_61 = %scan3A_50 to %scan3A_52 step %scan3A_53 iter_args(%scan3A_62 = %add3A_49) -> (vector<16xi32>)  : i32 {
        %mul3A_63 = arith.constant 80 : i32
        %mul3A_64 = arith.muli %scan3A_61, %mul3A_63 : i32
        %add3A_65 = arith.constant 0 : i32
        %add3A_66 = arith.addi %mul3A_64, %add3A_65 : i32
        %get3A = arith.index_cast %add3A_66 : i32 to index
        %get3A_67 = tpu.vector_load %arg6[%get3A] {strides = array<i32>} : memref<2000xi32, #tpu.memory_space<vmem>>, vector<16xi32>,
        %sub3A = vector.broadcast %mul3A_2 : i32 to vector<16xi32>
        %sub3A_68 = arith.subi %get3A_67, %sub3A : vector<16xi32>
        %bitcast3A = vector.bitcast %sub3A_68 : vector<16xi32> to vector<16xi32>
        %lt3A_69 = arith.constant 20000 : i32
        %lt3A_70 = vector.broadcast %lt3A_69 : i32 to vector<16xi32>
        %lt3A_71 = arith.cmpi ult, %bitcast3A, %lt3A_70 : vector<16xi32>
        %add3A_72 = arith.constant 0 : i32
        %add3A_73 = vector.broadcast %add3A_72 : i32 to vector<16xi32>
        %add3A_74 = arith.addi %scan3A_62, %add3A_73 : vector<16xi32>
        %mul3A_75 = arith.constant 80 : i32
        %mul3A_76 = arith.muli %scan3A_61, %mul3A_75 : i32
        %add3A_77 = arith.constant 16 : i32
        %add3A_78 = arith.addi %mul3A_76, %add3A_77 : i32
        %get3A_79 = arith.index_cast %add3A_78 : i32 to index
        %get3A_80 = tpu.vector_load %arg6[%get3A_79] {strides = array<i32>} : memref<2000xi32, #tpu.memory_space<vmem>>, vector<16xi32>,
        %sub3A_81 = vector.broadcast %mul3A_2 : i32 to vector<16xi32>
        %sub3A_82 = arith.subi %get3A_80, %sub3A_81 : vector<16xi32>
        %bitcast3A_83 = vector.bitcast %sub3A_82 : vector<16xi32> to vector<16xi32>
        %lt3A_84 = arith.constant 20000 : i32
        %lt3A_85 = vector.broadcast %lt3A_84 : i32 to vector<16xi32>
        %lt3A_86 = arith.cmpi ult, %bitcast3A_83, %lt3A_85 : vector<16xi32>
        %add3A_87 = arith.constant 16 : i32
        %add3A_88 = vector.broadcast %add3A_87 : i32 to vector<16xi32>
        %add3A_89 = arith.addi %scan3A_62, %add3A_88 : vector<16xi32>
        %mul3A_90 = arith.constant 80 : i32
        %mul3A_91 = arith.muli %scan3A_61, %mul3A_90 : i32
        %add3A_92 = arith.constant 32 : i32
        %add3A_93 = arith.addi %mul3A_91, %add3A_92 : i32
        %get3A_94 = arith.index_cast %add3A_93 : i32 to index
        %get3A_95 = tpu.vector_load %arg6[%get3A_94] {strides = array<i32>} : memref<2000xi32, #tpu.memory_space<vmem>>, vector<16xi32>,
        %sub3A_96 = vector.broadcast %mul3A_2 : i32 to vector<16xi32>
        %sub3A_97 = arith.subi %get3A_95, %sub3A_96 : vector<16xi32>
        %bitcast3A_98 = vector.bitcast %sub3A_97 : vector<16xi32> to vector<16xi32>
        %lt3A_99 = arith.constant 20000 : i32
        %lt3A_100 = vector.broadcast %lt3A_99 : i32 to vector<16xi32>
        %lt3A_101 = arith.cmpi ult, %bitcast3A_98, %lt3A_100 : vector<16xi32>
        %add3A_102 = arith.constant 32 : i32
        %add3A_103 = vector.broadcast %add3A_102 : i32 to vector<16xi32>
        %add3A_104 = arith.addi %scan3A_62, %add3A_103 : vector<16xi32>
        %mul3A_105 = arith.constant 80 : i32
        %mul3A_106 = arith.muli %scan3A_61, %mul3A_105 : i32
        %add3A_107 = arith.constant 48 : i32
        %add3A_108 = arith.addi %mul3A_106, %add3A_107 : i32
        %get3A_109 = arith.index_cast %add3A_108 : i32 to index
        %get3A_110 = tpu.vector_load %arg6[%get3A_109] {strides = array<i32>} : memref<2000xi32, #tpu.memory_space<vmem>>, vector<16xi32>,
        %sub3A_111 = vector.broadcast %mul3A_2 : i32 to vector<16xi32>
        %sub3A_112 = arith.subi %get3A_110, %sub3A_111 : vector<16xi32>
        %bitcast3A_113 = vector.bitcast %sub3A_112 : vector<16xi32> to vector<16xi32>
        %lt3A_114 = arith.constant 20000 : i32
        %lt3A_115 = vector.broadcast %lt3A_114 : i32 to vector<16xi32>
        %lt3A_116 = arith.cmpi ult, %bitcast3A_113, %lt3A_115 : vector<16xi32>
        %add3A_117 = arith.constant 48 : i32
        %add3A_118 = vector.broadcast %add3A_117 : i32 to vector<16xi32>
        %add3A_119 = arith.addi %scan3A_62, %add3A_118 : vector<16xi32>
        %mul3A_120 = arith.constant 80 : i32
        %mul3A_121 = arith.muli %scan3A_61, %mul3A_120 : i32
        %add3A_122 = arith.constant 64 : i32
        %add3A_123 = arith.addi %mul3A_121, %add3A_122 : i32
        %get3A_124 = arith.index_cast %add3A_123 : i32 to index
        %get3A_125 = tpu.vector_load %arg6[%get3A_124] {strides = array<i32>} : memref<2000xi32, #tpu.memory_space<vmem>>, vector<16xi32>,
        %sub3A_126 = vector.broadcast %mul3A_2 : i32 to vector<16xi32>
        %sub3A_127 = arith.subi %get3A_125, %sub3A_126 : vector<16xi32>
        %bitcast3A_128 = vector.bitcast %sub3A_127 : vector<16xi32> to vector<16xi32>
        %lt3A_129 = arith.constant 20000 : i32
        %lt3A_130 = vector.broadcast %lt3A_129 : i32 to vector<16xi32>
        %lt3A_131 = arith.cmpi ult, %bitcast3A_128, %lt3A_130 : vector<16xi32>
        %add3A_132 = arith.constant 64 : i32
        %add3A_133 = vector.broadcast %add3A_132 : i32 to vector<16xi32>
        %add3A_134 = arith.addi %scan3A_62, %add3A_133 : vector<16xi32>
        tpu.vector_store_idx %arg4[%sub3A_68], %add3A_74 masked %lt3A_71 : memref<20000xi32, #tpu.memory_space<vmem>>[vector<16xi32>], vector<16xi32>, vector<16xi1>
        tpu.vector_store_idx %arg4[%sub3A_82], %add3A_89 masked %lt3A_86 : memref<20000xi32, #tpu.memory_space<vmem>>[vector<16xi32>], vector<16xi32>, vector<16xi1>
        tpu.vector_store_idx %arg4[%sub3A_97], %add3A_104 masked %lt3A_101 : memref<20000xi32, #tpu.memory_space<vmem>>[vector<16xi32>], vector<16xi32>, vector<16xi1>
        tpu.vector_store_idx %arg4[%sub3A_112], %add3A_119 masked %lt3A_116 : memref<20000xi32, #tpu.memory_space<vmem>>[vector<16xi32>], vector<16xi32>, vector<16xi1>
        tpu.vector_store_idx %arg4[%sub3A_127], %add3A_134 masked %lt3A_131 : memref<20000xi32, #tpu.memory_space<vmem>>[vector<16xi32>], vector<16xi32>, vector<16xi1>
        %gather3A = tpu.vector_load_idx %arg4[%sub3A_68] masked %lt3A_71 : memref<20000xi32, #tpu.memory_space<vmem>>[vector<16xi32>], vector<16xi32>, vector<16xi1>
        %gather3A_135 = tpu.vector_load_idx %arg4[%sub3A_82] masked %lt3A_86 : memref<20000xi32, #tpu.memory_space<vmem>>[vector<16xi32>], vector<16xi32>, vector<16xi1>
        %gather3A_136 = tpu.vector_load_idx %arg4[%sub3A_97] masked %lt3A_101 : memref<20000xi32, #tpu.memory_space<vmem>>[vector<16xi32>], vector<16xi32>, vector<16xi1>
        %gather3A_137 = tpu.vector_load_idx %arg4[%sub3A_112] masked %lt3A_116 : memref<20000xi32, #tpu.memory_space<vmem>>[vector<16xi32>], vector<16xi32>, vector<16xi1>
        %gather3A_138 = tpu.vector_load_idx %arg4[%sub3A_127] masked %lt3A_131 : memref<20000xi32, #tpu.memory_space<vmem>>[vector<16xi32>], vector<16xi32>, vector<16xi1>
        %gt3A = arith.cmpi sgt, %add3A_74, %gather3A : vector<16xi32>
        %and3A = arith.andi %lt3A_71, %gt3A : vector<16xi1>
        tpu.vector_store_idx %arg4[%sub3A_68], %add3A_74 masked %and3A : memref<20000xi32, #tpu.memory_space<vmem>>[vector<16xi32>], vector<16xi32>, vector<16xi1>
        %gt3A_139 = arith.cmpi sgt, %add3A_89, %gather3A_135 : vector<16xi32>
        %and3A_140 = arith.andi %lt3A_86, %gt3A_139 : vector<16xi1>
        tpu.vector_store_idx %arg4[%sub3A_82], %add3A_89 masked %and3A_140 : memref<20000xi32, #tpu.memory_space<vmem>>[vector<16xi32>], vector<16xi32>, vector<16xi1>
        %gt3A_141 = arith.cmpi sgt, %add3A_104, %gather3A_136 : vector<16xi32>
        %and3A_142 = arith.andi %lt3A_101, %gt3A_141 : vector<16xi1>
        tpu.vector_store_idx %arg4[%sub3A_97], %add3A_104 masked %and3A_142 : memref<20000xi32, #tpu.memory_space<vmem>>[vector<16xi32>], vector<16xi32>, vector<16xi1>
        %gt3A_143 = arith.cmpi sgt, %add3A_119, %gather3A_137 : vector<16xi32>
        %and3A_144 = arith.andi %lt3A_116, %gt3A_143 : vector<16xi1>
        tpu.vector_store_idx %arg4[%sub3A_112], %add3A_119 masked %and3A_144 : memref<20000xi32, #tpu.memory_space<vmem>>[vector<16xi32>], vector<16xi32>, vector<16xi1>
        %gt3A_145 = arith.cmpi sgt, %add3A_134, %gather3A_138 : vector<16xi32>
        %and3A_146 = arith.andi %lt3A_131, %gt3A_145 : vector<16xi1>
        tpu.vector_store_idx %arg4[%sub3A_127], %add3A_134 masked %and3A_146 : memref<20000xi32, #tpu.memory_space<vmem>>[vector<16xi32>], vector<16xi32>, vector<16xi1>
        %add3A_147 = arith.constant 80 : i32
        %add3A_148 = vector.broadcast %add3A_147 : i32 to vector<16xi32>
        %add3A_149 = arith.addi %scan3A_62, %add3A_148 : vector<16xi32>
        scf.yield %add3A_149 : vector<16xi32>
      }
      %scan3A_55 = arith.constant 25 : i32
      %lt3A_56 = arith.constant 79 : i32
      %lt3A_57 = arith.cmpi slt, %scan3A_21, %lt3A_56 : i32
      %convert_element_type3A_58 = arith.extui %lt3A_57 : i1 to i32
      %cond3A_59 = arith.constant 0 : i32
      %cond3A_60 = arith.cmpi ne, %convert_element_type3A_58, %cond3A_59 : i32
      scf.if %cond3A_60 {
        %add3A_61 = arith.constant 3 : i32
        %add3A_62 = arith.addi %mul3A_23, %add3A_61 : i32
        %mul3A_63 = arith.constant 2000 : i32
        %mul3A_64 = arith.muli %add3A_62, %mul3A_63 : i32
        %dma_start3A_65 = tpu.memref_slice %arg2[%mul3A_64] : memref<320000xi32, #tpu.memory_space<hbm>> -> memref<2000xi32, #tpu.memory_space<hbm>>
        %dma_start3A_66 = tpu.memref_slice %arg2[%mul3A_64] : memref<320000xi32, #tpu.memory_space<hbm>> -> memref<2000xi32, #tpu.memory_space<hbm>>
        tpu.enqueue_dma source(%dma_start3A_66 : memref<2000xi32, #tpu.memory_space<hbm>>) target(%arg6 : memref<2000xi32, #tpu.memory_space<vmem>>) target_semaphore(%arg8 : memref<!tpu.dma_semaphore, #tpu.memory_space<semaphore_mem>>)
      } else {
      }
    }
    %scan3A_20 = arith.constant 80 : i32
    "tpu.region"() ({
      %run_scoped3A = tpu.sem_alloc : memref<!tpu.dma_semaphore, #tpu.memory_space<semaphore_mem>>
      %dma_start3A_21 = tpu.memref_slice %arg3[%mul3A_2] : memref<640000xi32, #tpu.memory_space<hbm>> -> memref<20000xi32, #tpu.memory_space<hbm>>
      %dma_start3A_22 = tpu.memref_slice %arg3[%mul3A_2] : memref<640000xi32, #tpu.memory_space<hbm>> -> memref<20000xi32, #tpu.memory_space<hbm>>
      tpu.enqueue_dma source(%arg4 : memref<20000xi32, #tpu.memory_space<vmem>>) target(%dma_start3A_22 : memref<20000xi32, #tpu.memory_space<hbm>>) target_semaphore(%run_scoped3A : memref<!tpu.dma_semaphore, #tpu.memory_space<semaphore_mem>>)
      %dma_wait3A = tpu.memref_slice %arg3[%mul3A_2] : memref<640000xi32, #tpu.memory_space<hbm>> -> memref<20000xi32, #tpu.memory_space<hbm>>
      %dma_wait3A_23 = tpu.memref_slice %arg3[%mul3A_2] : memref<640000xi32, #tpu.memory_space<hbm>> -> memref<20000xi32, #tpu.memory_space<hbm>>
      tpu.wait_dma2 semaphore(%run_scoped3A : memref<!tpu.dma_semaphore, #tpu.memory_space<semaphore_mem>>) src(%arg4 : memref<20000xi32, #tpu.memory_space<vmem>>) dst(%dma_wait3A_23 : memref<20000xi32, #tpu.memory_space<hbm>>)
      tpu.yield
    }) : () -> ()
    return
  }
}

#map = affine_map<(d0, d1) -> (0)>
#map1 = affine_map<(d0, d1) -> (0, 0)>
module attributes {stable_mosaic.version = 14 : i64} {
  func.func @new_body(%arg0: i32, %arg1: i32, %arg2: memref<640000xi32, #tpu.memory_space<hbm>>, %arg3: memref<320000x128xf32, #tpu.memory_space<hbm>>, %arg4: memref<640000x128xf32, #tpu.memory_space<hbm>>, %arg5: memref<640000x128xf32, #tpu.memory_space<hbm>>, %arg6: memref<20000xi32, #tpu.memory_space<vmem>>, %arg7: memref<158x128xi32, #tpu.memory_space<vmem>>, %arg8: memref<158x128xi32, #tpu.memory_space<vmem>>, %arg9: memref<128x128xf32, #tpu.memory_space<vmem>>, %arg10: memref<128x128xf32, #tpu.memory_space<vmem>>, %arg11: memref<!tpu.dma_semaphore, #tpu.memory_space<semaphore_mem>>, %arg12: memref<!tpu.dma_semaphore, #tpu.memory_space<semaphore_mem>>, %arg13: memref<!tpu.dma_semaphore, #tpu.memory_space<semaphore_mem>>, %arg14: memref<!tpu.dma_semaphore, #tpu.memory_space<semaphore_mem>>) attributes {dimension_semantics = [#tpu.dimension_semantics<core_parallel>, #tpu.dimension_semantics<subcore_parallel>], iteration_bounds = array<i64: 2, 16>, scalar_prefetch = 0 : i64, scratch_operands = 9 : i64, tpu.core_type = #tpu.core_type<sc_vector_subcore>, window_params = [{transform_indices = #map}, {transform_indices = #map1}, {transform_indices = #map1}, {transform_indices = #map1}]} {
    %mul3A = arith.constant 2 : i32
    %mul3A_0 = arith.muli %arg1, %mul3A : i32
    %add3A = arith.addi %mul3A_0, %arg0 : i32
    %mul3A_1 = arith.constant 20000 : i32
    %mul3A_2 = arith.muli %add3A, %mul3A_1 : i32
    "tpu.region"() ({
      %run_scoped3A = tpu.sem_alloc : memref<!tpu.dma_semaphore, #tpu.memory_space<semaphore_mem>>
      %dma_start3A = tpu.memref_slice %arg2[%mul3A_2] : memref<640000xi32, #tpu.memory_space<hbm>> -> memref<20000xi32, #tpu.memory_space<hbm>>
      %dma_start3A_223 = tpu.memref_slice %arg2[%mul3A_2] : memref<640000xi32, #tpu.memory_space<hbm>> -> memref<20000xi32, #tpu.memory_space<hbm>>
      tpu.enqueue_dma source(%dma_start3A_223 : memref<20000xi32, #tpu.memory_space<hbm>>) target(%arg6 : memref<20000xi32, #tpu.memory_space<vmem>>) target_semaphore(%run_scoped3A : memref<!tpu.dma_semaphore, #tpu.memory_space<semaphore_mem>>)
      %dma_wait3A = tpu.memref_slice %arg2[%mul3A_2] : memref<640000xi32, #tpu.memory_space<hbm>> -> memref<20000xi32, #tpu.memory_space<hbm>>
      %dma_wait3A_224 = tpu.memref_slice %arg2[%mul3A_2] : memref<640000xi32, #tpu.memory_space<hbm>> -> memref<20000xi32, #tpu.memory_space<hbm>>
      tpu.wait_dma2 semaphore(%run_scoped3A : memref<!tpu.dma_semaphore, #tpu.memory_space<semaphore_mem>>) src(%dma_wait3A_224 : memref<20000xi32, #tpu.memory_space<hbm>>) dst(%arg6 : memref<20000xi32, #tpu.memory_space<vmem>>)
      tpu.yield
    }) : () -> ()
    %broadcast_in_dim3A = arith.constant 0 : i32
    %broadcast_in_dim3A_3 = vector.broadcast %broadcast_in_dim3A : i32 to vector<16xi32>
    %scan3A = arith.constant 0 : i32
    %scan3A_4 = arith.constant 1250 : i32
    %scan3A_5 = arith.addi %scan3A, %scan3A_4 : i32
    %scan3A_6 = arith.constant 1 : i32
    %scan3A_7 = scf.for %scan3A_223 = %scan3A to %scan3A_5 step %scan3A_6 iter_args(%scan3A_224 = %broadcast_in_dim3A_3) -> (vector<16xi32>)  : i32 {
      %mul3A_225 = arith.constant 16 : i32
      %mul3A_226 = arith.muli %scan3A_223, %mul3A_225 : i32
      %get3A = arith.index_cast %mul3A_226 : i32 to index
      %get3A_227 = tpu.vector_load %arg6[%get3A] {strides = array<i32>} : memref<20000xi32, #tpu.memory_space<vmem>>, vector<16xi32>,
      %ge3A = arith.constant 0 : i32
      %ge3A_228 = vector.broadcast %ge3A : i32 to vector<16xi32>
      %ge3A_229 = arith.cmpi sge, %get3A_227, %ge3A_228 : vector<16xi32>
      %iota3A_230 = tpu.iota {dimensions = array<i32: 0>} : vector<16xi32>
      %mul3A_231 = arith.constant 16 : i32
      %mul3A_232 = arith.muli %scan3A_223, %mul3A_231 : i32
      %add3A_233 = arith.addi %mul3A_2, %mul3A_232 : i32
      %add3A_234 = vector.broadcast %add3A_233 : i32 to vector<16xi32>
      %add3A_235 = arith.addi %iota3A_230, %add3A_234 : vector<16xi32>
      %jit3A_236 = arith.constant 1 : i32
      %jit3A_237 = arith.constant 0 : i32
      %broadcast_in_dim3A_238 = vector.broadcast %jit3A_236 : i32 to vector<16xi32>
      %broadcast_in_dim3A_239 = vector.broadcast %jit3A_237 : i32 to vector<16xi32>
      %select_n3A_240 = arith.select %ge3A_229, %broadcast_in_dim3A_238, %broadcast_in_dim3A_239 : vector<16xi1>, vector<16xi32>
      %broadcast_in_dim3A_241 = arith.constant true
      %broadcast_in_dim3A_242 = vector.broadcast %broadcast_in_dim3A_241 : i1 to vector<16xi1>
      %masked_cumsum3A = tpu.scan <sum>, %select_n3A_240 masked %broadcast_in_dim3A_242 : vector<16xi32>, vector<16xi1> -> vector<16xi32>
      %add3A_243 = arith.addi %scan3A_224, %masked_cumsum3A : vector<16xi32>
      %sub3A_244 = arith.constant 1 : i32
      %sub3A_245 = vector.broadcast %sub3A_244 : i32 to vector<16xi32>
      %sub3A_246 = arith.subi %add3A_243, %sub3A_245 : vector<16xi32>
      %shift_right_arithmetic3A_247 = arith.constant 7 : i32
      %shift_right_arithmetic3A_248 = vector.broadcast %shift_right_arithmetic3A_247 : i32 to vector<16xi32>
      %shift_right_arithmetic3A_249 = arith.shrsi %sub3A_246, %shift_right_arithmetic3A_248 : vector<16xi32>
      %and3A_250 = arith.constant 127 : i32
      %and3A_251 = vector.broadcast %and3A_250 : i32 to vector<16xi32>
      %and3A_252 = arith.andi %sub3A_246, %and3A_251 : vector<16xi32>
      tpu.vector_store_idx %arg7[%shift_right_arithmetic3A_249, %and3A_252], %add3A_235 masked %ge3A_229 : memref<158x128xi32, #tpu.memory_space<vmem>>[vector<16xi32>, vector<16xi32>], vector<16xi32>, vector<16xi1>
      %shift_right_arithmetic3A_253 = arith.constant 7 : i32
      %shift_right_arithmetic3A_254 = vector.broadcast %shift_right_arithmetic3A_253 : i32 to vector<16xi32>
      %shift_right_arithmetic3A_255 = arith.shrsi %sub3A_246, %shift_right_arithmetic3A_254 : vector<16xi32>
      %and3A_256 = arith.constant 127 : i32
      %and3A_257 = vector.broadcast %and3A_256 : i32 to vector<16xi32>
      %and3A_258 = arith.andi %sub3A_246, %and3A_257 : vector<16xi32>
      tpu.vector_store_idx %arg8[%shift_right_arithmetic3A_255, %and3A_258], %get3A_227 masked %ge3A_229 : memref<158x128xi32, #tpu.memory_space<vmem>>[vector<16xi32>, vector<16xi32>], vector<16xi32>, vector<16xi1>
      %all_reduce_population_count3A = tpu.all_reduce %ge3A_229 {dim = 0 : i64, kind = #tpu.reduction_kind<sum>} : vector<16xi1> -> vector<16xi32>
      %add3A_259 = arith.addi %scan3A_224, %all_reduce_population_count3A : vector<16xi32>
      scf.yield %add3A_259 : vector<16xi32>
    }
    %scan3A_8 = arith.constant 1250 : i32
    %broadcast_in_dim3A_9 = arith.constant 0 : i32
    %broadcast_in_dim3A_10 = vector.broadcast %broadcast_in_dim3A_9 : i32 to vector<16xi32>
    %gather3A = tpu.vector_load_idx %arg7[%broadcast_in_dim3A_10, %broadcast_in_dim3A_10] : memref<158x128xi32, #tpu.memory_space<vmem>>[vector<16xi32>, vector<16xi32>], vector<16xi32>,
    %gather3A_11 = tpu.vector_load_idx %arg8[%broadcast_in_dim3A_10, %broadcast_in_dim3A_10] : memref<158x128xi32, #tpu.memory_space<vmem>>[vector<16xi32>, vector<16xi32>], vector<16xi32>,
    %add3A_12 = arith.constant 127 : i32
    %add3A_13 = vector.broadcast %add3A_12 : i32 to vector<16xi32>
    %add3A_14 = arith.addi %scan3A_7, %add3A_13 : vector<16xi32>
    %shift_right_arithmetic3A = arith.constant 7 : i32
    %shift_right_arithmetic3A_15 = vector.broadcast %shift_right_arithmetic3A : i32 to vector<16xi32>
    %shift_right_arithmetic3A_16 = arith.shrsi %add3A_14, %shift_right_arithmetic3A_15 : vector<16xi32>
    %shift_left3A = arith.constant 7 : i32
    %shift_left3A_17 = vector.broadcast %shift_left3A : i32 to vector<16xi32>
    %shift_left3A_18 = arith.shli %shift_right_arithmetic3A_16, %shift_left3A_17 : vector<16xi32>
    %iota3A = tpu.iota {dimensions = array<i32: 0>} : vector<16xi32>
    %add3A_19 = arith.addi %scan3A_7, %iota3A : vector<16xi32>
    %add3A_20 = arith.constant 0 : i32
    %add3A_21 = vector.broadcast %add3A_20 : i32 to vector<16xi32>
    %add3A_22 = arith.addi %add3A_19, %add3A_21 : vector<16xi32>
    %lt3A = arith.cmpi slt, %add3A_22, %shift_left3A_18 : vector<16xi32>
    %shift_right_arithmetic3A_23 = arith.constant 7 : i32
    %shift_right_arithmetic3A_24 = vector.broadcast %shift_right_arithmetic3A_23 : i32 to vector<16xi32>
    %shift_right_arithmetic3A_25 = arith.shrsi %add3A_22, %shift_right_arithmetic3A_24 : vector<16xi32>
    %and3A = arith.constant 127 : i32
    %and3A_26 = vector.broadcast %and3A : i32 to vector<16xi32>
    %and3A_27 = arith.andi %add3A_22, %and3A_26 : vector<16xi32>
    tpu.vector_store_idx %arg7[%shift_right_arithmetic3A_25, %and3A_27], %gather3A masked %lt3A : memref<158x128xi32, #tpu.memory_space<vmem>>[vector<16xi32>, vector<16xi32>], vector<16xi32>, vector<16xi1>
    %shift_right_arithmetic3A_28 = arith.constant 7 : i32
    %shift_right_arithmetic3A_29 = vector.broadcast %shift_right_arithmetic3A_28 : i32 to vector<16xi32>
    %shift_right_arithmetic3A_30 = arith.shrsi %add3A_22, %shift_right_arithmetic3A_29 : vector<16xi32>
    %and3A_31 = arith.constant 127 : i32
    %and3A_32 = vector.broadcast %and3A_31 : i32 to vector<16xi32>
    %and3A_33 = arith.andi %add3A_22, %and3A_32 : vector<16xi32>
    tpu.vector_store_idx %arg8[%shift_right_arithmetic3A_30, %and3A_33], %gather3A_11 masked %lt3A : memref<158x128xi32, #tpu.memory_space<vmem>>[vector<16xi32>, vector<16xi32>], vector<16xi32>, vector<16xi1>
    %iota3A_34 = tpu.iota {dimensions = array<i32: 0>} : vector<16xi32>
    %add3A_35 = arith.addi %scan3A_7, %iota3A_34 : vector<16xi32>
    %add3A_36 = arith.constant 16 : i32
    %add3A_37 = vector.broadcast %add3A_36 : i32 to vector<16xi32>
    %add3A_38 = arith.addi %add3A_35, %add3A_37 : vector<16xi32>
    %lt3A_39 = arith.cmpi slt, %add3A_38, %shift_left3A_18 : vector<16xi32>
    %shift_right_arithmetic3A_40 = arith.constant 7 : i32
    %shift_right_arithmetic3A_41 = vector.broadcast %shift_right_arithmetic3A_40 : i32 to vector<16xi32>
    %shift_right_arithmetic3A_42 = arith.shrsi %add3A_38, %shift_right_arithmetic3A_41 : vector<16xi32>
    %and3A_43 = arith.constant 127 : i32
    %and3A_44 = vector.broadcast %and3A_43 : i32 to vector<16xi32>
    %and3A_45 = arith.andi %add3A_38, %and3A_44 : vector<16xi32>
    tpu.vector_store_idx %arg7[%shift_right_arithmetic3A_42, %and3A_45], %gather3A masked %lt3A_39 : memref<158x128xi32, #tpu.memory_space<vmem>>[vector<16xi32>, vector<16xi32>], vector<16xi32>, vector<16xi1>
    %shift_right_arithmetic3A_46 = arith.constant 7 : i32
    %shift_right_arithmetic3A_47 = vector.broadcast %shift_right_arithmetic3A_46 : i32 to vector<16xi32>
    %shift_right_arithmetic3A_48 = arith.shrsi %add3A_38, %shift_right_arithmetic3A_47 : vector<16xi32>
    %and3A_49 = arith.constant 127 : i32
    %and3A_50 = vector.broadcast %and3A_49 : i32 to vector<16xi32>
    %and3A_51 = arith.andi %add3A_38, %and3A_50 : vector<16xi32>
    tpu.vector_store_idx %arg8[%shift_right_arithmetic3A_48, %and3A_51], %gather3A_11 masked %lt3A_39 : memref<158x128xi32, #tpu.memory_space<vmem>>[vector<16xi32>, vector<16xi32>], vector<16xi32>, vector<16xi1>
    %iota3A_52 = tpu.iota {dimensions = array<i32: 0>} : vector<16xi32>
    %add3A_53 = arith.addi %scan3A_7, %iota3A_52 : vector<16xi32>
    %add3A_54 = arith.constant 32 : i32
    %add3A_55 = vector.broadcast %add3A_54 : i32 to vector<16xi32>
    %add3A_56 = arith.addi %add3A_53, %add3A_55 : vector<16xi32>
    %lt3A_57 = arith.cmpi slt, %add3A_56, %shift_left3A_18 : vector<16xi32>
    %shift_right_arithmetic3A_58 = arith.constant 7 : i32
    %shift_right_arithmetic3A_59 = vector.broadcast %shift_right_arithmetic3A_58 : i32 to vector<16xi32>
    %shift_right_arithmetic3A_60 = arith.shrsi %add3A_56, %shift_right_arithmetic3A_59 : vector<16xi32>
    %and3A_61 = arith.constant 127 : i32
    %and3A_62 = vector.broadcast %and3A_61 : i32 to vector<16xi32>
    %and3A_63 = arith.andi %add3A_56, %and3A_62 : vector<16xi32>
    tpu.vector_store_idx %arg7[%shift_right_arithmetic3A_60, %and3A_63], %gather3A masked %lt3A_57 : memref<158x128xi32, #tpu.memory_space<vmem>>[vector<16xi32>, vector<16xi32>], vector<16xi32>, vector<16xi1>
    %shift_right_arithmetic3A_64 = arith.constant 7 : i32
    %shift_right_arithmetic3A_65 = vector.broadcast %shift_right_arithmetic3A_64 : i32 to vector<16xi32>
    %shift_right_arithmetic3A_66 = arith.shrsi %add3A_56, %shift_right_arithmetic3A_65 : vector<16xi32>
    %and3A_67 = arith.constant 127 : i32
    %and3A_68 = vector.broadcast %and3A_67 : i32 to vector<16xi32>
    %and3A_69 = arith.andi %add3A_56, %and3A_68 : vector<16xi32>
    tpu.vector_store_idx %arg8[%shift_right_arithmetic3A_66, %and3A_69], %gather3A_11 masked %lt3A_57 : memref<158x128xi32, #tpu.memory_space<vmem>>[vector<16xi32>, vector<16xi32>], vector<16xi32>, vector<16xi1>
    %iota3A_70 = tpu.iota {dimensions = array<i32: 0>} : vector<16xi32>
    %add3A_71 = arith.addi %scan3A_7, %iota3A_70 : vector<16xi32>
    %add3A_72 = arith.constant 48 : i32
    %add3A_73 = vector.broadcast %add3A_72 : i32 to vector<16xi32>
    %add3A_74 = arith.addi %add3A_71, %add3A_73 : vector<16xi32>
    %lt3A_75 = arith.cmpi slt, %add3A_74, %shift_left3A_18 : vector<16xi32>
    %shift_right_arithmetic3A_76 = arith.constant 7 : i32
    %shift_right_arithmetic3A_77 = vector.broadcast %shift_right_arithmetic3A_76 : i32 to vector<16xi32>
    %shift_right_arithmetic3A_78 = arith.shrsi %add3A_74, %shift_right_arithmetic3A_77 : vector<16xi32>
    %and3A_79 = arith.constant 127 : i32
    %and3A_80 = vector.broadcast %and3A_79 : i32 to vector<16xi32>
    %and3A_81 = arith.andi %add3A_74, %and3A_80 : vector<16xi32>
    tpu.vector_store_idx %arg7[%shift_right_arithmetic3A_78, %and3A_81], %gather3A masked %lt3A_75 : memref<158x128xi32, #tpu.memory_space<vmem>>[vector<16xi32>, vector<16xi32>], vector<16xi32>, vector<16xi1>
    %shift_right_arithmetic3A_82 = arith.constant 7 : i32
    %shift_right_arithmetic3A_83 = vector.broadcast %shift_right_arithmetic3A_82 : i32 to vector<16xi32>
    %shift_right_arithmetic3A_84 = arith.shrsi %add3A_74, %shift_right_arithmetic3A_83 : vector<16xi32>
    %and3A_85 = arith.constant 127 : i32
    %and3A_86 = vector.broadcast %and3A_85 : i32 to vector<16xi32>
    %and3A_87 = arith.andi %add3A_74, %and3A_86 : vector<16xi32>
    tpu.vector_store_idx %arg8[%shift_right_arithmetic3A_84, %and3A_87], %gather3A_11 masked %lt3A_75 : memref<158x128xi32, #tpu.memory_space<vmem>>[vector<16xi32>, vector<16xi32>], vector<16xi32>, vector<16xi1>
    %iota3A_88 = tpu.iota {dimensions = array<i32: 0>} : vector<16xi32>
    %add3A_89 = arith.addi %scan3A_7, %iota3A_88 : vector<16xi32>
    %add3A_90 = arith.constant 64 : i32
    %add3A_91 = vector.broadcast %add3A_90 : i32 to vector<16xi32>
    %add3A_92 = arith.addi %add3A_89, %add3A_91 : vector<16xi32>
    %lt3A_93 = arith.cmpi slt, %add3A_92, %shift_left3A_18 : vector<16xi32>
    %shift_right_arithmetic3A_94 = arith.constant 7 : i32
    %shift_right_arithmetic3A_95 = vector.broadcast %shift_right_arithmetic3A_94 : i32 to vector<16xi32>
    %shift_right_arithmetic3A_96 = arith.shrsi %add3A_92, %shift_right_arithmetic3A_95 : vector<16xi32>
    %and3A_97 = arith.constant 127 : i32
    %and3A_98 = vector.broadcast %and3A_97 : i32 to vector<16xi32>
    %and3A_99 = arith.andi %add3A_92, %and3A_98 : vector<16xi32>
    tpu.vector_store_idx %arg7[%shift_right_arithmetic3A_96, %and3A_99], %gather3A masked %lt3A_93 : memref<158x128xi32, #tpu.memory_space<vmem>>[vector<16xi32>, vector<16xi32>], vector<16xi32>, vector<16xi1>
    %shift_right_arithmetic3A_100 = arith.constant 7 : i32
    %shift_right_arithmetic3A_101 = vector.broadcast %shift_right_arithmetic3A_100 : i32 to vector<16xi32>
    %shift_right_arithmetic3A_102 = arith.shrsi %add3A_92, %shift_right_arithmetic3A_101 : vector<16xi32>
    %and3A_103 = arith.constant 127 : i32
    %and3A_104 = vector.broadcast %and3A_103 : i32 to vector<16xi32>
    %and3A_105 = arith.andi %add3A_92, %and3A_104 : vector<16xi32>
    tpu.vector_store_idx %arg8[%shift_right_arithmetic3A_102, %and3A_105], %gather3A_11 masked %lt3A_93 : memref<158x128xi32, #tpu.memory_space<vmem>>[vector<16xi32>, vector<16xi32>], vector<16xi32>, vector<16xi1>
    %iota3A_106 = tpu.iota {dimensions = array<i32: 0>} : vector<16xi32>
    %add3A_107 = arith.addi %scan3A_7, %iota3A_106 : vector<16xi32>
    %add3A_108 = arith.constant 80 : i32
    %add3A_109 = vector.broadcast %add3A_108 : i32 to vector<16xi32>
    %add3A_110 = arith.addi %add3A_107, %add3A_109 : vector<16xi32>
    %lt3A_111 = arith.cmpi slt, %add3A_110, %shift_left3A_18 : vector<16xi32>
    %shift_right_arithmetic3A_112 = arith.constant 7 : i32
    %shift_right_arithmetic3A_113 = vector.broadcast %shift_right_arithmetic3A_112 : i32 to vector<16xi32>
    %shift_right_arithmetic3A_114 = arith.shrsi %add3A_110, %shift_right_arithmetic3A_113 : vector<16xi32>
    %and3A_115 = arith.constant 127 : i32
    %and3A_116 = vector.broadcast %and3A_115 : i32 to vector<16xi32>
    %and3A_117 = arith.andi %add3A_110, %and3A_116 : vector<16xi32>
    tpu.vector_store_idx %arg7[%shift_right_arithmetic3A_114, %and3A_117], %gather3A masked %lt3A_111 : memref<158x128xi32, #tpu.memory_space<vmem>>[vector<16xi32>, vector<16xi32>], vector<16xi32>, vector<16xi1>
    %shift_right_arithmetic3A_118 = arith.constant 7 : i32
    %shift_right_arithmetic3A_119 = vector.broadcast %shift_right_arithmetic3A_118 : i32 to vector<16xi32>
    %shift_right_arithmetic3A_120 = arith.shrsi %add3A_110, %shift_right_arithmetic3A_119 : vector<16xi32>
    %and3A_121 = arith.constant 127 : i32
    %and3A_122 = vector.broadcast %and3A_121 : i32 to vector<16xi32>
    %and3A_123 = arith.andi %add3A_110, %and3A_122 : vector<16xi32>
    tpu.vector_store_idx %arg8[%shift_right_arithmetic3A_120, %and3A_123], %gather3A_11 masked %lt3A_111 : memref<158x128xi32, #tpu.memory_space<vmem>>[vector<16xi32>, vector<16xi32>], vector<16xi32>, vector<16xi1>
    %iota3A_124 = tpu.iota {dimensions = array<i32: 0>} : vector<16xi32>
    %add3A_125 = arith.addi %scan3A_7, %iota3A_124 : vector<16xi32>
    %add3A_126 = arith.constant 96 : i32
    %add3A_127 = vector.broadcast %add3A_126 : i32 to vector<16xi32>
    %add3A_128 = arith.addi %add3A_125, %add3A_127 : vector<16xi32>
    %lt3A_129 = arith.cmpi slt, %add3A_128, %shift_left3A_18 : vector<16xi32>
    %shift_right_arithmetic3A_130 = arith.constant 7 : i32
    %shift_right_arithmetic3A_131 = vector.broadcast %shift_right_arithmetic3A_130 : i32 to vector<16xi32>
    %shift_right_arithmetic3A_132 = arith.shrsi %add3A_128, %shift_right_arithmetic3A_131 : vector<16xi32>
    %and3A_133 = arith.constant 127 : i32
    %and3A_134 = vector.broadcast %and3A_133 : i32 to vector<16xi32>
    %and3A_135 = arith.andi %add3A_128, %and3A_134 : vector<16xi32>
    tpu.vector_store_idx %arg7[%shift_right_arithmetic3A_132, %and3A_135], %gather3A masked %lt3A_129 : memref<158x128xi32, #tpu.memory_space<vmem>>[vector<16xi32>, vector<16xi32>], vector<16xi32>, vector<16xi1>
    %shift_right_arithmetic3A_136 = arith.constant 7 : i32
    %shift_right_arithmetic3A_137 = vector.broadcast %shift_right_arithmetic3A_136 : i32 to vector<16xi32>
    %shift_right_arithmetic3A_138 = arith.shrsi %add3A_128, %shift_right_arithmetic3A_137 : vector<16xi32>
    %and3A_139 = arith.constant 127 : i32
    %and3A_140 = vector.broadcast %and3A_139 : i32 to vector<16xi32>
    %and3A_141 = arith.andi %add3A_128, %and3A_140 : vector<16xi32>
    tpu.vector_store_idx %arg8[%shift_right_arithmetic3A_138, %and3A_141], %gather3A_11 masked %lt3A_129 : memref<158x128xi32, #tpu.memory_space<vmem>>[vector<16xi32>, vector<16xi32>], vector<16xi32>, vector<16xi1>
    %iota3A_142 = tpu.iota {dimensions = array<i32: 0>} : vector<16xi32>
    %add3A_143 = arith.addi %scan3A_7, %iota3A_142 : vector<16xi32>
    %add3A_144 = arith.constant 112 : i32
    %add3A_145 = vector.broadcast %add3A_144 : i32 to vector<16xi32>
    %add3A_146 = arith.addi %add3A_143, %add3A_145 : vector<16xi32>
    %lt3A_147 = arith.cmpi slt, %add3A_146, %shift_left3A_18 : vector<16xi32>
    %shift_right_arithmetic3A_148 = arith.constant 7 : i32
    %shift_right_arithmetic3A_149 = vector.broadcast %shift_right_arithmetic3A_148 : i32 to vector<16xi32>
    %shift_right_arithmetic3A_150 = arith.shrsi %add3A_146, %shift_right_arithmetic3A_149 : vector<16xi32>
    %and3A_151 = arith.constant 127 : i32
    %and3A_152 = vector.broadcast %and3A_151 : i32 to vector<16xi32>
    %and3A_153 = arith.andi %add3A_146, %and3A_152 : vector<16xi32>
    tpu.vector_store_idx %arg7[%shift_right_arithmetic3A_150, %and3A_153], %gather3A masked %lt3A_147 : memref<158x128xi32, #tpu.memory_space<vmem>>[vector<16xi32>, vector<16xi32>], vector<16xi32>, vector<16xi1>
    %shift_right_arithmetic3A_154 = arith.constant 7 : i32
    %shift_right_arithmetic3A_155 = vector.broadcast %shift_right_arithmetic3A_154 : i32 to vector<16xi32>
    %shift_right_arithmetic3A_156 = arith.shrsi %add3A_146, %shift_right_arithmetic3A_155 : vector<16xi32>
    %and3A_157 = arith.constant 127 : i32
    %and3A_158 = vector.broadcast %and3A_157 : i32 to vector<16xi32>
    %and3A_159 = arith.andi %add3A_146, %and3A_158 : vector<16xi32>
    tpu.vector_store_idx %arg8[%shift_right_arithmetic3A_156, %and3A_159], %gather3A_11 masked %lt3A_147 : memref<158x128xi32, #tpu.memory_space<vmem>>[vector<16xi32>, vector<16xi32>], vector<16xi32>, vector<16xi1>
    %reduce_max3A = arith.constant true
    %reduce_max3A_160 = vector.broadcast %reduce_max3A : i1 to vector<16xi1>
    %reduce_max3A_161 = arith.constant -2147483648 : i32
    %reduce_max3A_162 = vector.broadcast %reduce_max3A_161 : i32 to vector<16xi32>
    %reduce_max3A_163 = arith.xori %scan3A_7, %reduce_max3A_162 : vector<16xi32>
    %reduce_max3A_164 = tpu.scan <max>, %reduce_max3A_163 masked %reduce_max3A_160 : vector<16xi32>, vector<16xi1> -> vector<16xi32>
    %reduce_max3A_165 = arith.xori %reduce_max3A_164, %reduce_max3A_162 : vector<16xi32>
    %reduce_max3A_166 = vector.extract %reduce_max3A_165[15] : i32 from vector<16xi32>
    %add3A_167 = arith.constant 128 : i32
    %add3A_168 = arith.addi %reduce_max3A_166, %add3A_167 : i32
    %sub3A = arith.constant 1 : i32
    %sub3A_169 = arith.subi %add3A_168, %sub3A : i32
    %jit3A = arith.constant 128 : i32
    %div3A = arith.divsi %sub3A_169, %jit3A : i32
    %sign3A = arith.constant 0 : i32
    %sign3A_170 = arith.cmpi sgt, %sub3A_169, %sign3A : i32
    %sign3A_171 = arith.extui %sign3A_170 : i1 to i32
    %sign3A_172 = arith.constant 0 : i32
    %sign3A_173 = arith.cmpi slt, %sub3A_169, %sign3A_172 : i32
    %sign3A_174 = arith.extui %sign3A_173 : i1 to i32
    %sign3A_175 = arith.subi %sign3A_171, %sign3A_174 : i32
    %sign3A_176 = arith.constant 0 : i32
    %sign3A_177 = arith.cmpi sgt, %jit3A, %sign3A_176 : i32
    %sign3A_178 = arith.extui %sign3A_177 : i1 to i32
    %sign3A_179 = arith.constant 0 : i32
    %sign3A_180 = arith.cmpi slt, %jit3A, %sign3A_179 : i32
    %sign3A_181 = arith.extui %sign3A_180 : i1 to i32
    %sign3A_182 = arith.subi %sign3A_178, %sign3A_181 : i32
    %ne3A = arith.cmpi ne, %sign3A_175, %sign3A_182 : i32
    %rem3A = arith.remsi %sub3A_169, %jit3A : i32
    %ne3A_183 = arith.constant 0 : i32
    %ne3A_184 = arith.cmpi ne, %rem3A, %ne3A_183 : i32
    %and3A_185 = arith.andi %ne3A, %ne3A_184 : i1
    %sub3A_186 = arith.constant 1 : i32
    %sub3A_187 = arith.subi %div3A, %sub3A_186 : i32
    %select_n3A = arith.select %and3A_185, %sub3A_187, %div3A : i32
    %add3A_188 = arith.constant 1 : i32
    %add3A_189 = arith.addi %select_n3A, %add3A_188 : i32
    %jit3A_190 = arith.constant 2 : i32
    %div3A_191 = arith.divsi %add3A_189, %jit3A_190 : i32
    %sign3A_192 = arith.constant 0 : i32
    %sign3A_193 = arith.cmpi sgt, %add3A_189, %sign3A_192 : i32
    %sign3A_194 = arith.extui %sign3A_193 : i1 to i32
    %sign3A_195 = arith.constant 0 : i32
    %sign3A_196 = arith.cmpi slt, %add3A_189, %sign3A_195 : i32
    %sign3A_197 = arith.extui %sign3A_196 : i1 to i32
    %sign3A_198 = arith.subi %sign3A_194, %sign3A_197 : i32
    %sign3A_199 = arith.constant 0 : i32
    %sign3A_200 = arith.cmpi sgt, %jit3A_190, %sign3A_199 : i32
    %sign3A_201 = arith.extui %sign3A_200 : i1 to i32
    %sign3A_202 = arith.constant 0 : i32
    %sign3A_203 = arith.cmpi slt, %jit3A_190, %sign3A_202 : i32
    %sign3A_204 = arith.extui %sign3A_203 : i1 to i32
    %sign3A_205 = arith.subi %sign3A_201, %sign3A_204 : i32
    %ne3A_206 = arith.cmpi ne, %sign3A_198, %sign3A_205 : i32
    %rem3A_207 = arith.remsi %add3A_189, %jit3A_190 : i32
    %ne3A_208 = arith.constant 0 : i32
    %ne3A_209 = arith.cmpi ne, %rem3A_207, %ne3A_208 : i32
    %and3A_210 = arith.andi %ne3A_206, %ne3A_209 : i1
    %sub3A_211 = arith.constant 1 : i32
    %sub3A_212 = arith.subi %div3A_191, %sub3A_211 : i32
    %select_n3A_213 = arith.select %and3A_210, %sub3A_212, %div3A_191 : i32
    %while3A = arith.constant 0 : i32
    %while3A_214 = arith.constant 0 : i32
    %while3A_215 = arith.subi %select_n3A_213, %while3A_214 : i32
    %while3A_216 = arith.addi %while3A_214, %while3A_215 : i32
    %while3A_217 = arith.constant 1 : i32
    %while3A_218 = arith.divsi %while3A_215, %while3A_217 : i32
    %while3A_219 = arith.muli %while3A_218, %while3A_217 : i32
    %while3A_220 = arith.addi %while3A_214, %while3A_219 : i32
    %while3A_221 = arith.constant 1 : i32
    scf.for %while3A_223 = %while3A_214 to %while3A_220 step %while3A_221  : i32 {
      %mul3A_224 = arith.constant 2 : i32
      %mul3A_225 = arith.muli %mul3A_224, %while3A_223 : i32
      %add3A_226 = arith.constant 1 : i32
      %add3A_227 = arith.addi %mul3A_225, %add3A_226 : i32
      %dma_start3A = arith.constant 0 : i32
      %dma_start3A_228 = tpu.memref_slice %arg8[%mul3A_225, %dma_start3A] : memref<158x128xi32, #tpu.memory_space<vmem>> -> memref<1x128xi32, #tpu.memory_space<vmem>>
      %dma_start3A_229 = tpu.memref_squeeze %dma_start3A_228 : memref<1x128xi32, #tpu.memory_space<vmem>> -> memref<128xi32, #tpu.memory_space<vmem>>
      %dma_start3A_230 = arith.constant 0 : i32
      %dma_start3A_231 = arith.constant 0 : i32
      %dma_start3A_232 = tpu.memref_slice %arg3[%dma_start3A_230, %dma_start3A_231] : memref<320000x128xf32, #tpu.memory_space<hbm>> -> memref<320000x128xf32, #tpu.memory_space<hbm>>
      tpu.enqueue_indirect_dma source(%dma_start3A_232 : memref<320000x128xf32, #tpu.memory_space<hbm>>) target(%arg9 : memref<128x128xf32, #tpu.memory_space<vmem>>) offsets(%dma_start3A_229 : memref<128xi32, #tpu.memory_space<vmem>>) semaphore(%arg11 : memref<!tpu.dma_semaphore, #tpu.memory_space<semaphore_mem>>)
      %lt3A_233 = arith.cmpi slt, %add3A_227, %select_n3A : i32
      %convert_element_type3A = arith.extui %lt3A_233 : i1 to i32
      %cond3A = arith.constant 0 : i32
      %cond3A_234 = arith.cmpi ne, %convert_element_type3A, %cond3A : i32
      scf.if %cond3A_234 {
        %dma_start3A_262 = arith.constant 0 : i32
        %dma_start3A_263 = tpu.memref_slice %arg8[%add3A_227, %dma_start3A_262] : memref<158x128xi32, #tpu.memory_space<vmem>> -> memref<1x128xi32, #tpu.memory_space<vmem>>
        %dma_start3A_264 = tpu.memref_squeeze %dma_start3A_263 : memref<1x128xi32, #tpu.memory_space<vmem>> -> memref<128xi32, #tpu.memory_space<vmem>>
        %dma_start3A_265 = arith.constant 0 : i32
        %dma_start3A_266 = arith.constant 0 : i32
        %dma_start3A_267 = tpu.memref_slice %arg3[%dma_start3A_265, %dma_start3A_266] : memref<320000x128xf32, #tpu.memory_space<hbm>> -> memref<320000x128xf32, #tpu.memory_space<hbm>>
        tpu.enqueue_indirect_dma source(%dma_start3A_267 : memref<320000x128xf32, #tpu.memory_space<hbm>>) target(%arg10 : memref<128x128xf32, #tpu.memory_space<vmem>>) offsets(%dma_start3A_264 : memref<128xi32, #tpu.memory_space<vmem>>) semaphore(%arg12 : memref<!tpu.dma_semaphore, #tpu.memory_space<semaphore_mem>>)
      } else {
      }
      %dma_wait3A = arith.constant 0 : i32
      %dma_wait3A_235 = arith.constant 0 : i32
      %dma_wait3A_236 = tpu.memref_slice %arg8[%dma_wait3A, %dma_wait3A_235] : memref<158x128xi32, #tpu.memory_space<vmem>> -> memref<1x128xi32, #tpu.memory_space<vmem>>
      %dma_wait3A_237 = tpu.memref_squeeze %dma_wait3A_236 : memref<1x128xi32, #tpu.memory_space<vmem>> -> memref<128xi32, #tpu.memory_space<vmem>>
      %dma_wait3A_238 = arith.constant 0 : i32
      %dma_wait3A_239 = arith.constant 0 : i32
      %dma_wait3A_240 = tpu.memref_slice %arg3[%dma_wait3A_238, %dma_wait3A_239] : memref<320000x128xf32, #tpu.memory_space<hbm>> -> memref<320000x128xf32, #tpu.memory_space<hbm>>
      tpu.wait_indirect_dma semaphore(%arg11 : memref<!tpu.dma_semaphore, #tpu.memory_space<semaphore_mem>>) src(%dma_wait3A_240 : memref<320000x128xf32, #tpu.memory_space<hbm>>) dst(%arg9 : memref<128x128xf32, #tpu.memory_space<vmem>>)
      %dma_start3A_241 = arith.constant 0 : i32
      %dma_start3A_242 = tpu.memref_slice %arg7[%mul3A_225, %dma_start3A_241] : memref<158x128xi32, #tpu.memory_space<vmem>> -> memref<1x128xi32, #tpu.memory_space<vmem>>
      %dma_start3A_243 = tpu.memref_squeeze %dma_start3A_242 : memref<1x128xi32, #tpu.memory_space<vmem>> -> memref<128xi32, #tpu.memory_space<vmem>>
      %dma_start3A_244 = arith.constant 0 : i32
      %dma_start3A_245 = arith.constant 0 : i32
      %dma_start3A_246 = tpu.memref_slice %arg4[%dma_start3A_244, %dma_start3A_245] : memref<640000x128xf32, #tpu.memory_space<hbm>> -> memref<640000x128xf32, #tpu.memory_space<hbm>>
      tpu.enqueue_indirect_dma source(%arg9 : memref<128x128xf32, #tpu.memory_space<vmem>>) target(%dma_start3A_246 : memref<640000x128xf32, #tpu.memory_space<hbm>>) offsets(%dma_start3A_243 : memref<128xi32, #tpu.memory_space<vmem>>) semaphore(%arg13 : memref<!tpu.dma_semaphore, #tpu.memory_space<semaphore_mem>>)
      %lt3A_247 = arith.cmpi slt, %add3A_227, %select_n3A : i32
      %convert_element_type3A_248 = arith.extui %lt3A_247 : i1 to i32
      %cond3A_249 = arith.constant 0 : i32
      %cond3A_250 = arith.cmpi ne, %convert_element_type3A_248, %cond3A_249 : i32
      scf.if %cond3A_250 {
        %dma_wait3A_262 = arith.constant 0 : i32
        %dma_wait3A_263 = arith.constant 0 : i32
        %dma_wait3A_264 = tpu.memref_slice %arg8[%dma_wait3A_262, %dma_wait3A_263] : memref<158x128xi32, #tpu.memory_space<vmem>> -> memref<1x128xi32, #tpu.memory_space<vmem>>
        %dma_wait3A_265 = tpu.memref_squeeze %dma_wait3A_264 : memref<1x128xi32, #tpu.memory_space<vmem>> -> memref<128xi32, #tpu.memory_space<vmem>>
        %dma_wait3A_266 = arith.constant 0 : i32
        %dma_wait3A_267 = arith.constant 0 : i32
        %dma_wait3A_268 = tpu.memref_slice %arg3[%dma_wait3A_266, %dma_wait3A_267] : memref<320000x128xf32, #tpu.memory_space<hbm>> -> memref<320000x128xf32, #tpu.memory_space<hbm>>
        tpu.wait_indirect_dma semaphore(%arg12 : memref<!tpu.dma_semaphore, #tpu.memory_space<semaphore_mem>>) src(%dma_wait3A_268 : memref<320000x128xf32, #tpu.memory_space<hbm>>) dst(%arg10 : memref<128x128xf32, #tpu.memory_space<vmem>>)
        %dma_start3A_269 = arith.constant 0 : i32
        %dma_start3A_270 = tpu.memref_slice %arg7[%add3A_227, %dma_start3A_269] : memref<158x128xi32, #tpu.memory_space<vmem>> -> memref<1x128xi32, #tpu.memory_space<vmem>>
        %dma_start3A_271 = tpu.memref_squeeze %dma_start3A_270 : memref<1x128xi32, #tpu.memory_space<vmem>> -> memref<128xi32, #tpu.memory_space<vmem>>
        %dma_start3A_272 = arith.constant 0 : i32
        %dma_start3A_273 = arith.constant 0 : i32
        %dma_start3A_274 = tpu.memref_slice %arg4[%dma_start3A_272, %dma_start3A_273] : memref<640000x128xf32, #tpu.memory_space<hbm>> -> memref<640000x128xf32, #tpu.memory_space<hbm>>
        tpu.enqueue_indirect_dma source(%arg10 : memref<128x128xf32, #tpu.memory_space<vmem>>) target(%dma_start3A_274 : memref<640000x128xf32, #tpu.memory_space<hbm>>) offsets(%dma_start3A_271 : memref<128xi32, #tpu.memory_space<vmem>>) semaphore(%arg14 : memref<!tpu.dma_semaphore, #tpu.memory_space<semaphore_mem>>)
      } else {
      }
      %dma_wait3A_251 = arith.constant 0 : i32
      %dma_wait3A_252 = arith.constant 0 : i32
      %dma_wait3A_253 = tpu.memref_slice %arg7[%dma_wait3A_251, %dma_wait3A_252] : memref<158x128xi32, #tpu.memory_space<vmem>> -> memref<1x128xi32, #tpu.memory_space<vmem>>
      %dma_wait3A_254 = tpu.memref_squeeze %dma_wait3A_253 : memref<1x128xi32, #tpu.memory_space<vmem>> -> memref<128xi32, #tpu.memory_space<vmem>>
      %dma_wait3A_255 = arith.constant 0 : i32
      %dma_wait3A_256 = arith.constant 0 : i32
      %dma_wait3A_257 = tpu.memref_slice %arg4[%dma_wait3A_255, %dma_wait3A_256] : memref<640000x128xf32, #tpu.memory_space<hbm>> -> memref<640000x128xf32, #tpu.memory_space<hbm>>
      tpu.wait_indirect_dma semaphore(%arg13 : memref<!tpu.dma_semaphore, #tpu.memory_space<semaphore_mem>>) src(%arg9 : memref<128x128xf32, #tpu.memory_space<vmem>>) dst(%dma_wait3A_257 : memref<640000x128xf32, #tpu.memory_space<hbm>>)
      %lt3A_258 = arith.cmpi slt, %add3A_227, %select_n3A : i32
      %convert_element_type3A_259 = arith.extui %lt3A_258 : i1 to i32
      %cond3A_260 = arith.constant 0 : i32
      %cond3A_261 = arith.cmpi ne, %convert_element_type3A_259, %cond3A_260 : i32
      scf.if %cond3A_261 {
        %dma_wait3A_262 = arith.constant 0 : i32
        %dma_wait3A_263 = arith.constant 0 : i32
        %dma_wait3A_264 = tpu.memref_slice %arg7[%dma_wait3A_262, %dma_wait3A_263] : memref<158x128xi32, #tpu.memory_space<vmem>> -> memref<1x128xi32, #tpu.memory_space<vmem>>
        %dma_wait3A_265 = tpu.memref_squeeze %dma_wait3A_264 : memref<1x128xi32, #tpu.memory_space<vmem>> -> memref<128xi32, #tpu.memory_space<vmem>>
        %dma_wait3A_266 = arith.constant 0 : i32
        %dma_wait3A_267 = arith.constant 0 : i32
        %dma_wait3A_268 = tpu.memref_slice %arg4[%dma_wait3A_266, %dma_wait3A_267] : memref<640000x128xf32, #tpu.memory_space<hbm>> -> memref<640000x128xf32, #tpu.memory_space<hbm>>
        tpu.wait_indirect_dma semaphore(%arg14 : memref<!tpu.dma_semaphore, #tpu.memory_space<semaphore_mem>>) src(%arg10 : memref<128x128xf32, #tpu.memory_space<vmem>>) dst(%dma_wait3A_268 : memref<640000x128xf32, #tpu.memory_space<hbm>>)
      } else {
      }
    }
    %while3A_222 = arith.constant 1 : i32
    scf.for %while3A_223 = %while3A_220 to %while3A_216 step %while3A_222  : i32 {
      %mul3A_224 = arith.constant 2 : i32
      %mul3A_225 = arith.muli %mul3A_224, %while3A_223 : i32
      %add3A_226 = arith.constant 1 : i32
      %add3A_227 = arith.addi %mul3A_225, %add3A_226 : i32
      %dma_start3A = arith.constant 0 : i32
      %dma_start3A_228 = tpu.memref_slice %arg8[%mul3A_225, %dma_start3A] : memref<158x128xi32, #tpu.memory_space<vmem>> -> memref<1x128xi32, #tpu.memory_space<vmem>>
      %dma_start3A_229 = tpu.memref_squeeze %dma_start3A_228 : memref<1x128xi32, #tpu.memory_space<vmem>> -> memref<128xi32, #tpu.memory_space<vmem>>
      %dma_start3A_230 = arith.constant 0 : i32
      %dma_start3A_231 = arith.constant 0 : i32
      %dma_start3A_232 = tpu.memref_slice %arg3[%dma_start3A_230, %dma_start3A_231] : memref<320000x128xf32, #tpu.memory_space<hbm>> -> memref<320000x128xf32, #tpu.memory_space<hbm>>
      tpu.enqueue_indirect_dma source(%dma_start3A_232 : memref<320000x128xf32, #tpu.memory_space<hbm>>) target(%arg9 : memref<128x128xf32, #tpu.memory_space<vmem>>) offsets(%dma_start3A_229 : memref<128xi32, #tpu.memory_space<vmem>>) semaphore(%arg11 : memref<!tpu.dma_semaphore, #tpu.memory_space<semaphore_mem>>)
      %lt3A_233 = arith.cmpi slt, %add3A_227, %select_n3A : i32
      %convert_element_type3A = arith.extui %lt3A_233 : i1 to i32
      %cond3A = arith.constant 0 : i32
      %cond3A_234 = arith.cmpi ne, %convert_element_type3A, %cond3A : i32
      scf.if %cond3A_234 {
        %dma_start3A_262 = arith.constant 0 : i32
        %dma_start3A_263 = tpu.memref_slice %arg8[%add3A_227, %dma_start3A_262] : memref<158x128xi32, #tpu.memory_space<vmem>> -> memref<1x128xi32, #tpu.memory_space<vmem>>
        %dma_start3A_264 = tpu.memref_squeeze %dma_start3A_263 : memref<1x128xi32, #tpu.memory_space<vmem>> -> memref<128xi32, #tpu.memory_space<vmem>>
        %dma_start3A_265 = arith.constant 0 : i32
        %dma_start3A_266 = arith.constant 0 : i32
        %dma_start3A_267 = tpu.memref_slice %arg3[%dma_start3A_265, %dma_start3A_266] : memref<320000x128xf32, #tpu.memory_space<hbm>> -> memref<320000x128xf32, #tpu.memory_space<hbm>>
        tpu.enqueue_indirect_dma source(%dma_start3A_267 : memref<320000x128xf32, #tpu.memory_space<hbm>>) target(%arg10 : memref<128x128xf32, #tpu.memory_space<vmem>>) offsets(%dma_start3A_264 : memref<128xi32, #tpu.memory_space<vmem>>) semaphore(%arg12 : memref<!tpu.dma_semaphore, #tpu.memory_space<semaphore_mem>>)
      } else {
      }
      %dma_wait3A = arith.constant 0 : i32
      %dma_wait3A_235 = arith.constant 0 : i32
      %dma_wait3A_236 = tpu.memref_slice %arg8[%dma_wait3A, %dma_wait3A_235] : memref<158x128xi32, #tpu.memory_space<vmem>> -> memref<1x128xi32, #tpu.memory_space<vmem>>
      %dma_wait3A_237 = tpu.memref_squeeze %dma_wait3A_236 : memref<1x128xi32, #tpu.memory_space<vmem>> -> memref<128xi32, #tpu.memory_space<vmem>>
      %dma_wait3A_238 = arith.constant 0 : i32
      %dma_wait3A_239 = arith.constant 0 : i32
      %dma_wait3A_240 = tpu.memref_slice %arg3[%dma_wait3A_238, %dma_wait3A_239] : memref<320000x128xf32, #tpu.memory_space<hbm>> -> memref<320000x128xf32, #tpu.memory_space<hbm>>
      tpu.wait_indirect_dma semaphore(%arg11 : memref<!tpu.dma_semaphore, #tpu.memory_space<semaphore_mem>>) src(%dma_wait3A_240 : memref<320000x128xf32, #tpu.memory_space<hbm>>) dst(%arg9 : memref<128x128xf32, #tpu.memory_space<vmem>>)
      %dma_start3A_241 = arith.constant 0 : i32
      %dma_start3A_242 = tpu.memref_slice %arg7[%mul3A_225, %dma_start3A_241] : memref<158x128xi32, #tpu.memory_space<vmem>> -> memref<1x128xi32, #tpu.memory_space<vmem>>
      %dma_start3A_243 = tpu.memref_squeeze %dma_start3A_242 : memref<1x128xi32, #tpu.memory_space<vmem>> -> memref<128xi32, #tpu.memory_space<vmem>>
      %dma_start3A_244 = arith.constant 0 : i32
      %dma_start3A_245 = arith.constant 0 : i32
      %dma_start3A_246 = tpu.memref_slice %arg4[%dma_start3A_244, %dma_start3A_245] : memref<640000x128xf32, #tpu.memory_space<hbm>> -> memref<640000x128xf32, #tpu.memory_space<hbm>>
      tpu.enqueue_indirect_dma source(%arg9 : memref<128x128xf32, #tpu.memory_space<vmem>>) target(%dma_start3A_246 : memref<640000x128xf32, #tpu.memory_space<hbm>>) offsets(%dma_start3A_243 : memref<128xi32, #tpu.memory_space<vmem>>) semaphore(%arg13 : memref<!tpu.dma_semaphore, #tpu.memory_space<semaphore_mem>>)
      %lt3A_247 = arith.cmpi slt, %add3A_227, %select_n3A : i32
      %convert_element_type3A_248 = arith.extui %lt3A_247 : i1 to i32
      %cond3A_249 = arith.constant 0 : i32
      %cond3A_250 = arith.cmpi ne, %convert_element_type3A_248, %cond3A_249 : i32
      scf.if %cond3A_250 {
        %dma_wait3A_262 = arith.constant 0 : i32
        %dma_wait3A_263 = arith.constant 0 : i32
        %dma_wait3A_264 = tpu.memref_slice %arg8[%dma_wait3A_262, %dma_wait3A_263] : memref<158x128xi32, #tpu.memory_space<vmem>> -> memref<1x128xi32, #tpu.memory_space<vmem>>
        %dma_wait3A_265 = tpu.memref_squeeze %dma_wait3A_264 : memref<1x128xi32, #tpu.memory_space<vmem>> -> memref<128xi32, #tpu.memory_space<vmem>>
        %dma_wait3A_266 = arith.constant 0 : i32
        %dma_wait3A_267 = arith.constant 0 : i32
        %dma_wait3A_268 = tpu.memref_slice %arg3[%dma_wait3A_266, %dma_wait3A_267] : memref<320000x128xf32, #tpu.memory_space<hbm>> -> memref<320000x128xf32, #tpu.memory_space<hbm>>
        tpu.wait_indirect_dma semaphore(%arg12 : memref<!tpu.dma_semaphore, #tpu.memory_space<semaphore_mem>>) src(%dma_wait3A_268 : memref<320000x128xf32, #tpu.memory_space<hbm>>) dst(%arg10 : memref<128x128xf32, #tpu.memory_space<vmem>>)
        %dma_start3A_269 = arith.constant 0 : i32
        %dma_start3A_270 = tpu.memref_slice %arg7[%add3A_227, %dma_start3A_269] : memref<158x128xi32, #tpu.memory_space<vmem>> -> memref<1x128xi32, #tpu.memory_space<vmem>>
        %dma_start3A_271 = tpu.memref_squeeze %dma_start3A_270 : memref<1x128xi32, #tpu.memory_space<vmem>> -> memref<128xi32, #tpu.memory_space<vmem>>
        %dma_start3A_272 = arith.constant 0 : i32
        %dma_start3A_273 = arith.constant 0 : i32
        %dma_start3A_274 = tpu.memref_slice %arg4[%dma_start3A_272, %dma_start3A_273] : memref<640000x128xf32, #tpu.memory_space<hbm>> -> memref<640000x128xf32, #tpu.memory_space<hbm>>
        tpu.enqueue_indirect_dma source(%arg10 : memref<128x128xf32, #tpu.memory_space<vmem>>) target(%dma_start3A_274 : memref<640000x128xf32, #tpu.memory_space<hbm>>) offsets(%dma_start3A_271 : memref<128xi32, #tpu.memory_space<vmem>>) semaphore(%arg14 : memref<!tpu.dma_semaphore, #tpu.memory_space<semaphore_mem>>)
      } else {
      }
      %dma_wait3A_251 = arith.constant 0 : i32
      %dma_wait3A_252 = arith.constant 0 : i32
      %dma_wait3A_253 = tpu.memref_slice %arg7[%dma_wait3A_251, %dma_wait3A_252] : memref<158x128xi32, #tpu.memory_space<vmem>> -> memref<1x128xi32, #tpu.memory_space<vmem>>
      %dma_wait3A_254 = tpu.memref_squeeze %dma_wait3A_253 : memref<1x128xi32, #tpu.memory_space<vmem>> -> memref<128xi32, #tpu.memory_space<vmem>>
      %dma_wait3A_255 = arith.constant 0 : i32
      %dma_wait3A_256 = arith.constant 0 : i32
      %dma_wait3A_257 = tpu.memref_slice %arg4[%dma_wait3A_255, %dma_wait3A_256] : memref<640000x128xf32, #tpu.memory_space<hbm>> -> memref<640000x128xf32, #tpu.memory_space<hbm>>
      tpu.wait_indirect_dma semaphore(%arg13 : memref<!tpu.dma_semaphore, #tpu.memory_space<semaphore_mem>>) src(%arg9 : memref<128x128xf32, #tpu.memory_space<vmem>>) dst(%dma_wait3A_257 : memref<640000x128xf32, #tpu.memory_space<hbm>>)
      %lt3A_258 = arith.cmpi slt, %add3A_227, %select_n3A : i32
      %convert_element_type3A_259 = arith.extui %lt3A_258 : i1 to i32
      %cond3A_260 = arith.constant 0 : i32
      %cond3A_261 = arith.cmpi ne, %convert_element_type3A_259, %cond3A_260 : i32
      scf.if %cond3A_261 {
        %dma_wait3A_262 = arith.constant 0 : i32
        %dma_wait3A_263 = arith.constant 0 : i32
        %dma_wait3A_264 = tpu.memref_slice %arg7[%dma_wait3A_262, %dma_wait3A_263] : memref<158x128xi32, #tpu.memory_space<vmem>> -> memref<1x128xi32, #tpu.memory_space<vmem>>
        %dma_wait3A_265 = tpu.memref_squeeze %dma_wait3A_264 : memref<1x128xi32, #tpu.memory_space<vmem>> -> memref<128xi32, #tpu.memory_space<vmem>>
        %dma_wait3A_266 = arith.constant 0 : i32
        %dma_wait3A_267 = arith.constant 0 : i32
        %dma_wait3A_268 = tpu.memref_slice %arg4[%dma_wait3A_266, %dma_wait3A_267] : memref<640000x128xf32, #tpu.memory_space<hbm>> -> memref<640000x128xf32, #tpu.memory_space<hbm>>
        tpu.wait_indirect_dma semaphore(%arg14 : memref<!tpu.dma_semaphore, #tpu.memory_space<semaphore_mem>>) src(%arg10 : memref<128x128xf32, #tpu.memory_space<vmem>>) dst(%dma_wait3A_268 : memref<640000x128xf32, #tpu.memory_space<hbm>>)
      } else {
      }
    }
    return
  }
}

module attributes {stable_mosaic.version = 14 : i64} {
  func.func @_copy_body(%arg0: i32, %arg1: memref<3200x128xf32, #tpu.memory_space<vmem>>, %arg2: memref<3200x128xf32, #tpu.memory_space<vmem>>) attributes {dimension_semantics = [#tpu.dimension_semantics<arbitrary>], iteration_bounds = array<i64: 200>, scalar_prefetch = 0 : i64, scratch_operands = 0 : i64, tpu.core_type = #tpu.core_type<tc>, window_params = [{transform_indices = @transform_0, window_bounds = array<i64: 3200, 128>}, {transform_indices = @transform_1, window_bounds = array<i64: 3200, 128>}]} {
    %get3A = arith.constant 0 : index
    %get3A_0 = arith.constant 0 : index
    %get3A_1 = vector.load %arg1[%get3A, %get3A_0] : memref<3200x128xf32, #tpu.memory_space<vmem>>, vector<3200x128xf32>
    %swap3A = arith.constant 0 : index
    %swap3A_2 = arith.constant 0 : index
    %swap3A_3 = vector.load %arg2[%swap3A, %swap3A_2] : memref<3200x128xf32, #tpu.memory_space<vmem>>, vector<3200x128xf32>
    tpu.vector_store %arg2[%swap3A, %swap3A_2], %get3A_1 {strides = array<i32>} : memref<3200x128xf32, #tpu.memory_space<vmem>>, vector<3200x128xf32>,
    return
  }
  func.func @transform_0(%arg0: i32) -> (i32, i32) {
    %c0_i32 = arith.constant 0 : i32
    %c0_i32_0 = arith.constant 0 : i32
    return %arg0, %c0_i32 : i32, i32
  }
  func.func @transform_1(%arg0: i32) -> (i32, i32) {
    %c0_i32 = arith.constant 0 : i32
    %c0_i32_0 = arith.constant 0 : i32
    return %arg0, %c0_i32 : i32, i32
  }
}

module attributes {stable_mosaic.version = 14 : i64} {
  func.func @_mlp_body(%arg0: i32, %arg1: memref<3200x128xf32, #tpu.memory_space<vmem>>, %arg2: memref<3200x128xf32, #tpu.memory_space<vmem>>, %arg3: memref<3200x128xf32, #tpu.memory_space<vmem>>, %arg4: memref<128x128xf32, #tpu.memory_space<vmem>>, %arg5: memref<128x128xf32, #tpu.memory_space<vmem>>, %arg6: memref<128x128xf32, #tpu.memory_space<vmem>>, %arg7: memref<128x128xf32, #tpu.memory_space<vmem>>, %arg8: memref<1x128xf32, #tpu.memory_space<vmem>>, %arg9: memref<1x128xf32, #tpu.memory_space<vmem>>, %arg10: memref<3200x128xf32, #tpu.memory_space<vmem>>) attributes {dimension_semantics = [#tpu.dimension_semantics<arbitrary>], iteration_bounds = array<i64: 100>, scalar_prefetch = 0 : i64, scratch_operands = 0 : i64, tpu.core_type = #tpu.core_type<tc>, window_params = [{transform_indices = @transform_0, window_bounds = array<i64: 3200, 128>}, {transform_indices = @transform_1, window_bounds = array<i64: 3200, 128>}, {transform_indices = @transform_2, window_bounds = array<i64: 3200, 128>}, {pipeline_mode = #tpu.pipeline_mode<synchronous>, transform_indices = @transform_3, window_bounds = array<i64: 128, 128>}, {pipeline_mode = #tpu.pipeline_mode<synchronous>, transform_indices = @transform_4, window_bounds = array<i64: 128, 128>}, {pipeline_mode = #tpu.pipeline_mode<synchronous>, transform_indices = @transform_5, window_bounds = array<i64: 128, 128>}, {pipeline_mode = #tpu.pipeline_mode<synchronous>, transform_indices = @transform_6, window_bounds = array<i64: 128, 128>}, {pipeline_mode = #tpu.pipeline_mode<synchronous>, transform_indices = @transform_7, window_bounds = array<i64: 1, 128>}, {pipeline_mode = #tpu.pipeline_mode<synchronous>, transform_indices = @transform_8, window_bounds = array<i64: 1, 128>}, {transform_indices = @transform_9, window_bounds = array<i64: 3200, 128>}]} {
    %get3A = arith.constant 0 : index
    %get3A_0 = arith.constant 0 : index
    %get3A_1 = vector.load %arg1[%get3A, %get3A_0] : memref<3200x128xf32, #tpu.memory_space<vmem>>, vector<3200x128xf32>
    %get3A_2 = arith.constant 0 : index
    %get3A_3 = arith.constant 0 : index
    %get3A_4 = vector.load %arg4[%get3A_2, %get3A_3] : memref<128x128xf32, #tpu.memory_space<vmem>>, vector<128x128xf32>
    %dot_general3A = arith.constant dense<0.000000e+00> : vector<3200x128xf32>
    %dot_general3A_5 = tpu.matmul %get3A_1, %get3A_4, %dot_general3A {dimension_numbers = #tpu.dot_dimension_numbers<[1], [0], [0], [1], [0, 0, 1, 1], [], []>, transpose_lhs_hint = false} : vector<3200x128xf32>, vector<128x128xf32>, vector<3200x128xf32> -> vector<3200x128xf32>
    %get3A_6 = arith.constant 0 : index
    %get3A_7 = arith.constant 0 : index
    %get3A_8 = vector.load %arg2[%get3A_6, %get3A_7] : memref<3200x128xf32, #tpu.memory_space<vmem>>, vector<3200x128xf32>
    %get3A_9 = arith.constant 0 : index
    %get3A_10 = arith.constant 0 : index
    %get3A_11 = vector.load %arg5[%get3A_9, %get3A_10] : memref<128x128xf32, #tpu.memory_space<vmem>>, vector<128x128xf32>
    %dot_general3A_12 = arith.constant dense<0.000000e+00> : vector<3200x128xf32>
    %dot_general3A_13 = tpu.matmul %get3A_8, %get3A_11, %dot_general3A_12 {dimension_numbers = #tpu.dot_dimension_numbers<[1], [0], [0], [1], [0, 0, 1, 1], [], []>, transpose_lhs_hint = false} : vector<3200x128xf32>, vector<128x128xf32>, vector<3200x128xf32> -> vector<3200x128xf32>
    %add3A = arith.addf %dot_general3A_5, %dot_general3A_13 : vector<3200x128xf32>
    %get3A_14 = arith.constant 0 : index
    %get3A_15 = arith.constant 0 : index
    %get3A_16 = vector.load %arg3[%get3A_14, %get3A_15] : memref<3200x128xf32, #tpu.memory_space<vmem>>, vector<3200x128xf32>
    %get3A_17 = arith.constant 0 : index
    %get3A_18 = arith.constant 0 : index
    %get3A_19 = vector.load %arg6[%get3A_17, %get3A_18] : memref<128x128xf32, #tpu.memory_space<vmem>>, vector<128x128xf32>
    %dot_general3A_20 = arith.constant dense<0.000000e+00> : vector<3200x128xf32>
    %dot_general3A_21 = tpu.matmul %get3A_16, %get3A_19, %dot_general3A_20 {dimension_numbers = #tpu.dot_dimension_numbers<[1], [0], [0], [1], [0, 0, 1, 1], [], []>, transpose_lhs_hint = false} : vector<3200x128xf32>, vector<128x128xf32>, vector<3200x128xf32> -> vector<3200x128xf32>
    %add3A_22 = arith.addf %add3A, %dot_general3A_21 : vector<3200x128xf32>
    %get3A_23 = arith.constant 0 : index
    %get3A_24 = arith.constant 0 : index
    %get3A_25 = vector.load %arg8[%get3A_23, %get3A_24] : memref<1x128xf32, #tpu.memory_space<vmem>>, vector<1x128xf32>
    %add3A_26 = vector.broadcast %get3A_25 : vector<1x128xf32> to vector<3200x128xf32>
    %add3A_27 = arith.addf %add3A_22, %add3A_26 : vector<3200x128xf32>
    %logistic3A = arith.negf %add3A_27 : vector<3200x128xf32>
    %logistic3A_28 = math.exp %logistic3A : vector<3200x128xf32>
    %logistic3A_29 = arith.constant 1.000000e+00 : f32
    %logistic3A_30 = vector.broadcast %logistic3A_29 : f32 to vector<3200x128xf32>
    %logistic3A_31 = arith.addf %logistic3A_30, %logistic3A_28 : vector<3200x128xf32>
    %logistic3A_32 = arith.divf %logistic3A_30, %logistic3A_31 : vector<3200x128xf32>
    %mul3A = arith.mulf %add3A_27, %logistic3A_32 : vector<3200x128xf32>
    %get3A_33 = arith.constant 0 : index
    %get3A_34 = arith.constant 0 : index
    %get3A_35 = vector.load %arg3[%get3A_33, %get3A_34] : memref<3200x128xf32, #tpu.memory_space<vmem>>, vector<3200x128xf32>
    %get3A_36 = arith.constant 0 : index
    %get3A_37 = arith.constant 0 : index
    %get3A_38 = vector.load %arg9[%get3A_36, %get3A_37] : memref<1x128xf32, #tpu.memory_space<vmem>>, vector<1x128xf32>
    %add3A_39 = vector.broadcast %get3A_38 : vector<1x128xf32> to vector<3200x128xf32>
    %add3A_40 = arith.addf %get3A_35, %add3A_39 : vector<3200x128xf32>
    %get3A_41 = arith.constant 0 : index
    %get3A_42 = arith.constant 0 : index
    %get3A_43 = vector.load %arg7[%get3A_41, %get3A_42] : memref<128x128xf32, #tpu.memory_space<vmem>>, vector<128x128xf32>
    %dot_general3A_44 = arith.constant dense<0.000000e+00> : vector<3200x128xf32>
    %dot_general3A_45 = tpu.matmul %mul3A, %get3A_43, %dot_general3A_44 {dimension_numbers = #tpu.dot_dimension_numbers<[1], [0], [0], [1], [0, 0, 1, 1], [], []>, transpose_lhs_hint = false} : vector<3200x128xf32>, vector<128x128xf32>, vector<3200x128xf32> -> vector<3200x128xf32>
    %add3A_46 = arith.addf %add3A_40, %dot_general3A_45 : vector<3200x128xf32>
    %swap3A = arith.constant 0 : index
    %swap3A_47 = arith.constant 0 : index
    %swap3A_48 = vector.load %arg10[%swap3A, %swap3A_47] : memref<3200x128xf32, #tpu.memory_space<vmem>>, vector<3200x128xf32>
    tpu.vector_store %arg10[%swap3A, %swap3A_47], %add3A_46 {strides = array<i32>} : memref<3200x128xf32, #tpu.memory_space<vmem>>, vector<3200x128xf32>,
    return
  }
  func.func @transform_0(%arg0: i32) -> (i32, i32) {
    %c0_i32 = arith.constant 0 : i32
    %c0_i32_0 = arith.constant 0 : i32
    return %arg0, %c0_i32 : i32, i32
  }
  func.func @transform_1(%arg0: i32) -> (i32, i32) {
    %c0_i32 = arith.constant 0 : i32
    %c0_i32_0 = arith.constant 0 : i32
    return %arg0, %c0_i32 : i32, i32
  }
  func.func @transform_2(%arg0: i32) -> (i32, i32) {
    %c0_i32 = arith.constant 0 : i32
    %c0_i32_0 = arith.constant 0 : i32
    return %arg0, %c0_i32 : i32, i32
  }
  func.func @transform_3(%arg0: i32) -> (i32, i32) {
    %c0_i32 = arith.constant 0 : i32
    %c0_i32_0 = arith.constant 0 : i32
    %c0_i32_1 = arith.constant 0 : i32
    return %c0_i32, %c0_i32_0 : i32, i32
  }
  func.func @transform_4(%arg0: i32) -> (i32, i32) {
    %c0_i32 = arith.constant 0 : i32
    %c0_i32_0 = arith.constant 0 : i32
    %c0_i32_1 = arith.constant 0 : i32
    return %c0_i32, %c0_i32_0 : i32, i32
  }
  func.func @transform_5(%arg0: i32) -> (i32, i32) {
    %c0_i32 = arith.constant 0 : i32
    %c0_i32_0 = arith.constant 0 : i32
    %c0_i32_1 = arith.constant 0 : i32
    return %c0_i32, %c0_i32_0 : i32, i32
  }
  func.func @transform_6(%arg0: i32) -> (i32, i32) {
    %c0_i32 = arith.constant 0 : i32
    %c0_i32_0 = arith.constant 0 : i32
    %c0_i32_1 = arith.constant 0 : i32
    return %c0_i32, %c0_i32_0 : i32, i32
  }
  func.func @transform_7(%arg0: i32) -> (i32, i32) {
    %c0_i32 = arith.constant 0 : i32
    %c0_i32_0 = arith.constant 0 : i32
    %c0_i32_1 = arith.constant 0 : i32
    return %c0_i32, %c0_i32_0 : i32, i32
  }
  func.func @transform_8(%arg0: i32) -> (i32, i32) {
    %c0_i32 = arith.constant 0 : i32
    %c0_i32_0 = arith.constant 0 : i32
    %c0_i32_1 = arith.constant 0 : i32
    return %c0_i32, %c0_i32_0 : i32, i32
  }
  func.func @transform_9(%arg0: i32) -> (i32, i32) {
    %c0_i32 = arith.constant 0 : i32
    %c0_i32_0 = arith.constant 0 : i32
    return %arg0, %c0_i32 : i32, i32
  }
}

</mosaic_0001>

<sc_bundles>
// kernel: kernel.10.cloned.1.call-start
scs
__scs_entry_jumppad:
0x0: {  	(pc) =	sbr.rel $0x88, $3  }
0x1: {  	(tag) =	ssettag $0x0;
	lr =	simm.s32 $0x1  }
0x2: {  	[smem:$0x3F99] =	sst lr;
	_ =	strace $0xD0000000  }
0x3: {  	_ = 	snop  }
0x4: {  	_ = 	snop  }
0x5: {  	_ = 	snop  }
0x6: {  	_ = 	snop  }
0x7: {  	_ = 	snop  }
__scs_overlays_trampoline_lowered:
0x8: {  	[smem:$0x3FA8] =	sst s0  }
0x9: {  	[smem:$0x3FA9] =	sst s1  }
0xa: {  	[smem:$0x3FAA] =	sst s2  }
0xb: {  	[smem:$0x3FAB] =	sst s3  }
0xc: {  	[smem:$0x3FAC] =	sst s4  }
0xd: {  	[smem:$0x3FAD] =	sst s5  }
0xe: {  	[smem:$0x3FAE] =	sst s6  }
0xf: {  	[smem:$0x3FAF] =	sst s7  }
0x10: {  	[smem:$0x3FB0] =	sst s8  }
0x11: {  	[smem:$0x3FB1] =	sst s9;
	s0 =	simm.s32 @!p0 $0x0  }
0x12: {  	s1 =	sld [smem:$0x3F97];
	s0 =	simm.s32 @p0 $0x1  }
0x13: {  	[smem:$0x3FB2] =	sst s0;
	s0 =	simm.s32 @!p1 $0x0  }
0x14: {  	s2 =	sld [smem:$0x3F96];
	s0 =	simm.s32 @p1 $0x1  }
0x15: {  	[smem:$0x3FB3] =	sst s0;
	s0 =	simm.s32 @!p2 $0x0  }
0x16: {  	s3 =	sld [smem:$0x3FDB];
	s0 =	simm.s32 @p2 $0x1  }
0x17: {  	s4 =	simm.s32 $0x1BF5;
	[smem:$0x3FB5] =	sst s0  }
0x18: {  	s0 =	sld [smem:$0x3F98];
	_ =	swait.ge [sflag:s4], $0x0  }
0x19: {  	s7 =	sld [smem:$0x3F99]  }
0x1a: {  	s8 =	sadd.s32 $0xFFFFE003, lr  }
0x1b: {  	s9 =	sadd.s32 $0xFFFFFEF7, lr;
	s5 =	simm.s32 $0xFFFFFFFF;
	p2 =	slt.u32 s8, $0xFFFFF086  }
0x1c: {  	p1 =	slt.u32 s9, $0xF7A;
	s5 =	simm.s32 @!p2 $0x0  }
0x1d: {  	s5 =	simm.s32 @p1 $0x1;
	p0 =	seq.s32 s7, s2  }
0x1e: {  	s7 =	smul.u32 @!p0 $0xF7A, s2;
	p2 =	seq.s32 @!p0 s5, $0x0  }
0x1f: {  	s9 =	smul.u32 $0xF7A, s1;
	s8 =	simm.s32 @!p0 $0x1BF5;
	p2 =	por !p2, p0  }
0x20: {  	[sflag:s8] =	ssyncset.s32 @!p0 $0xFFFFF086;
	s6 =	sadd.s32 @!p0 s3, s7;
	s7 =	simm.s32 @!p0 $0x108  }
0x21: {  	s3 =	sadd.s32 s3, s9;
	s6 =	sadd.s32 @!p0 $0x88, s6;
	s7 =	simm.s32 @p2 $0x1082  }
0x22: {  	[simem:s7], [sflag:s8] =	dma.local @!p0 [hbm:s6], $0xF7A  }
0x23: {  	s9 =	sor.u32 $0xD0000000, s2;
	s6 =	simm.s32 $0x108;
	_ =	swait.ge @!p0 [sflag:s8], $0x0  }
0x24: {  	s3 =	sadd.s32 $0x88, s3;
	s6 =	simm.s32 @!p1 $0x1082;
	[sflag:s4] =	ssyncset.s32 $0xFFFFF086  }
0x25: {  	[simem:s6], [sflag:s4] =	dma.local [hbm:s3], $0xF7A  }
0x26: {  	[smem:$0x3F99] =	sst s1;
	(tag) =	ssettag s2;
	_ =	strace s9  }
0x27: {  	s1 =	sld [smem:$0x3FA9]  }
0x28: {  	s2 =	sld [smem:$0x3FAA]  }
0x29: {  	s4 =	sld [smem:$0x3FAC]  }
0x2a: {  	p0 =	seq.s32 s5, $0x0;
	s5 =	sld [smem:$0x3FAD]  }
0x2b: {  	s6 =	sld [smem:$0x3FAE]  }
0x2c: {  	s7 =	sld [smem:$0x3FAF]  }
0x2d: {  	s3 =	simm.s32 $0x108;
	s8 =	sld [smem:$0x3FB0]  }
0x2e: {  	s3 =	simm.s32 @!p0 $0x1082;
	s9 =	sld [smem:$0x3FB1]  }
0x2f: {  	lr =	sadd.s32 s0, s3;
	s0 =	sld [smem:$0x3FA8]  }
0x30: {  	s3 =	sld [smem:$0x3FAB]  }
0x31: {  	[smem:$0x3FB4] =	sst s10  }
0x32: {  	s10 =	sld [smem:$0x3FB2];
	_ =	sdelay $0x3  }
0x33: {  	p0 =	seq.s32 s10, $0x1;
	s10 =	sld [smem:$0x3FB4];
	_ =	sdelay $0x3  }
0x34: {  	[smem:$0x3FB4] =	sst s10  }
0x35: {  	s10 =	sld [smem:$0x3FB3];
	_ =	sdelay $0x3  }
0x36: {  	p1 =	seq.s32 s10, $0x1;
	s10 =	sld [smem:$0x3FB4];
	_ =	sdelay $0x3  }
0x37: {  	[smem:$0x3FB4] =	sst s10  }
0x38: {  	s10 =	sld [smem:$0x3FB5]  }
0x39: {  	_ = 	snop;
	(pc) =	sbr.ind lr, $3  }
0x3a: {  	_ = 	snop  }
0x3b: {  	_ = 	snop  }
0x3c: {  	p2 =	seq.s32 s10, $0x1;
	s10 =	sld [smem:$0x3FB4]  }
0x3d: {  	_ =	shalt  }
0x3e: {  	_ =	shalt  }
0x3f: {  	_ =	shalt  }
0x40: {  	_ =	shalt  }
0x41: {  	_ =	shalt  }
0x42: {  	_ =	shalt  }
0x43: {  	_ =	shalt  }
0x44: {  	_ =	shalt  }
0x45: {  	_ =	shalt  }
0x46: {  	_ =	shalt  }
0x47: {  	_ =	shalt  }
0x48: {  	_ =	shalt  }
0x49: {  	_ =	shalt  }
0x4a: {  	_ =	shalt  }
0x4b: {  	_ =	shalt  }
0x4c: {  	_ =	shalt  }
0x4d: {  	_ =	shalt  }
0x4e: {  	_ =	shalt  }
0x4f: {  	_ =	shalt  }
0x50: {  	_ =	shalt  }
0x51: {  	_ =	shalt  }
0x52: {  	_ =	shalt  }
0x53: {  	_ =	shalt  }
0x54: {  	_ =	shalt  }
0x55: {  	_ =	shalt  }
0x56: {  	_ =	shalt  }
0x57: {  	_ =	shalt  }
0x58: {  	_ =	shalt  }
0x59: {  	_ =	shalt  }
0x5a: {  	_ =	shalt  }
0x5b: {  	_ =	shalt  }
0x5c: {  	_ =	shalt  }
0x5d: {  	_ =	shalt  }
0x5e: {  	_ =	shalt  }
0x5f: {  	_ =	shalt  }
0x60: {  	_ =	shalt  }
0x61: {  	_ =	shalt  }
0x62: {  	_ =	shalt  }
0x63: {  	_ =	shalt  }
0x64: {  	_ =	shalt  }
0x65: {  	_ =	shalt  }
0x66: {  	_ =	shalt  }
0x67: {  	_ =	shalt  }
0x68: {  	_ =	shalt  }
0x69: {  	_ =	shalt  }
0x6a: {  	_ =	shalt  }
0x6b: {  	_ =	shalt  }
0x6c: {  	_ =	shalt  }
0x6d: {  	_ =	shalt  }
0x6e: {  	_ =	shalt  }
0x6f: {  	_ =	shalt  }
0x70: {  	_ =	shalt  }
0x71: {  	_ =	shalt  }
0x72: {  	_ =	shalt  }
0x73: {  	_ =	shalt  }
0x74: {  	_ =	shalt  }
0x75: {  	_ =	shalt  }
0x76: {  	_ =	shalt  }
0x77: {  	_ =	shalt  }
0x78: {  	_ =	shalt  }
0x79: {  	_ =	shalt  }
0x7a: {  	_ =	shalt  }
0x7b: {  	_ =	shalt  }
0x7c: {  	_ =	shalt  }
0x7d: {  	_ =	shalt  }
0x7e: {  	_ =	shalt  }
0x7f: {  	_ =	shalt  }
0x80: {  	_ =	shalt  }
0x81: {  	_ =	shalt  }
0x82: {  	_ =	shalt  }
0x83: {  	_ =	shalt  }
0x84: {  	_ =	shalt  }
0x85: {  	_ =	shalt  }
0x86: {  	_ =	shalt  }
0x87: {  	_ =	shalt  }
.Lfunc_end0:
.L_simem_size_0:
called_computation.1_lowered:
.L_overlay_start_0:
0x88: {  	s2 =	sld [smem:$0x3FD9]  }
0x89: {  	s3 =	sld [smem:$0x3FFE];
	_ =	sdelay $0x1  }
0x8a: {  	s1 =	srdreg.scid  }
0x8b: {  	s0 =	sand.u32 $0x1, s1  }
0x8c: {  	s17 =	sshll.u32 s0, $0xA;
	s2 =	sadd.s32 s3, s2  }
0x8d: {  	s2 =	sadd.s32 s2, s17  }
0x8e: {  	[smem:$0x3FC0] =	sst s2  }
0x8f: {  	_ = 	snop  }
0x90: {  	s18 =	sld [smem:$0x3FC6];
	(tm) =	ssettm $0x1  }
0x91: {  	s19 =	sld [smem:$0x3FFB];
	_ =	sdelay $0x3  }
0x92: {  	_ =	strace s19  }
0x93: {  	s2 =	sld [smem:$0x3FFC];
	_ =	sdelay $0x3  }
0x94: {  	_ =	strace s2  }
0x95: {  	s2 =	sld [smem:$0x3FFD];
	_ =	sdelay $0x3  }
0x96: {  	_ =	strace s2  }
0x97: {  	_ =	strace $0x8FFFFFFF  }
0x98: {  	s20 =	sld [smem:$0x3FDB];
	_ =	sdelay $0x1  }
0x99: {  	s4 =	simm.s32 $_scs_section_size  }
0x9a: {  	s5 =	simm.s32 $_size__tile_overlayer_lowered;
	s6 =	simm.s32 $_tile_overlayer_lowered  }
0x9b: {  	s7 =	simm.s32 $0x1BFF;
	s21 =	sshll.u32 s6, $0x1;
	s4 =	sadd.s32 s4, s20  }
0x9c: {  	s22 =	simm.s32 $0x0;
	s5 =	sshll.u32 s5, $0x1;
	s6 =	sadd.s32 s21, s4  }
0x9d: {  	[timem:s22], [sflag:s7] =	dma.local [hbm:s6], s5  }
0x9e: {  	_ =	swait.ge [sflag:s7], s5  }
0x9f: {  	s5 =	ssub.s32 $0x0, s5;
	[sflag:s7] =	ssyncset.done $0x0  }
0xa0: {  	[sflag:s7] =	ssyncadd.s32 s5;
	_ =	sdelay $0x1  }
0xa1: {  	s23 =	simm.s32 $0x1B8B  }
0xa2: {  	_ =	swait.ge [sflag:s23], $0x1  }
0xa3: {  	[sflag:s23] =	ssyncset.done $0x0  }
0xa4: {  	[sflag:s23] =	ssyncadd.s32 $0xFFFFFFFF  }
0xa5: {  	s5 =	sld [smem:$0x0]  }
0xa6: {  	s6 =	sand.u32 $0xFFFFFFFE, s1  }
0xa7: {  	p0 =	sne.s32 s1, s6  }
0xa8: {  	s6 =	sshll.u32 @p0 s6, $0xE  }
0xa9: {  	s6 =	sadd.s32 @p0 $0x11B8D, s6;
	s7 =	sshll.u32 @p0 s5, $0x11  }
0xaa: {  	s6 =	sor.u32 @p0 s7, s6  }
0xab: {  	[sflag:s6] =	ssyncadd.remote.s32 @p0 $0x1;
	_ =	sdelay $0x1  }
0xac: {  	s6 =	simm.s32 @p0 $0x1B8D  }
0xad: {  	_ =	swait.eq @p0 [sflag:s6], $0x1  }
0xae: {  	[sflag:s6] =	ssyncadd.s32 @p0 $0xFFFFFFFF  }
0xaf: {  	s7 =	sshll.u32 @!p0 s1, $0xE  }
0xb0: {  	s7 =	sor.u32 @!p0 $0x4000, s7;
	s6 =	simm.s32 @!p0 $0x1B8D  }
0xb1: {  	s5 =	sshll.u32 @!p0 s5, $0x11;
	s7 =	sadd.s32 @!p0 $0x11B8D, s7;
	_ =	swait.eq @!p0 [sflag:s6], $0x1  }
0xb2: {  	s5 =	sor.u32 @!p0 s5, s7;
	[sflag:s6] =	ssyncadd.s32 @!p0 $0xFFFFFFFF  }
0xb3: {  	s25 =	simm.s32 $0x1B8E;
	s24 =	sld [smem:$0x3FFE];
	[sflag:s5] =	ssyncadd.remote.s32 @!p0 $0x1  }
0xb4: {  	s26 =	simm.s32 $execute0_lowered;
	[smem:$0x3FD2] =	sst s25  }
0xb5: {  	s6 =	sshll.u32 s26, $0x1;
	_ =	strace $0x80000049;
	[dreg:$0x1] =	wrdreg $0xFFFFFFFF  }
0xb6: {  	s28 =	simm.s32 $_size_execute0_lowered;
	s4 =	sadd.s32 s4, s6;
	[dreg:$0x0] =	wrdreg $0x0  }
0xb7: {  	s6 =	sshll.u32 s28, $0x1;
	[dreg:$0x2] =	wrdreg s4  }
0xb8: {  	[dreg:$0x3] =	wrdreg s6  }
0xb9: {  	[dreg:$0x4] =	wrdreg $0xC0  }
0xba: {  	_ =	task [dreg:s22], $0x5FFFF  }
0xbb: {  	[dreg:$0x1] =	wrdreg $0xFFFFFFFF  }
0xbc: {  	[dreg:$0x0] =	wrdreg $0x60  }
0xbd: {  	[dreg:$0x2] =	wrdreg s18  }
0xbe: {  	[dreg:$0x3] =	wrdreg s24  }
0xbf: {  	[dreg:$0x4] =	wrdreg $0xA  }
0xc0: {  	_ =	task.clear_ibuf [dreg:s22], $0x5FFFF;
	_ =	strace $0x90000049  }
0xc1: {  	s29 =	simm.s32 $0xA;
	_ =	strace $0x8000004B  }
0xc2: {  	_ =	swait.ge [sflag:s29], $0x1  }
0xc3: {  	[sflag:s29] =	ssyncadd.s32 $0xFFFFFFFF  }
0xc4: {  	_ =	strace $0x9000004B  }
0xc5: {  	_ =	sfence  }
0xc6: {  	s30 =	sld [smem:$0x0];
	_ =	sdelay $0x2  }
0xc7: {  	s31 =	sshll.u32 s1, $0xD;
	s1 =	sshrl.u32 s1, $0x2  }
0xc8: {  	s4 =	sand.u32 $0x4000, s31;
	s1 =	sadd.s32 s1, s30  }
0xc9: {  	s0 =	sor.u32 s4, s0;
	s1 =	sshll.u32 s1, $0x11  }
0xca: {  	s0 =	sor.u32 s1, s0  }
0xcb: {  	s0 =	sadd.s32 $0x8F2B, s0  }
0xcc: {  	[sflag:s0] =	ssyncadd.remote.s32 $0x1  }
0xcd: {  	_ =	sfence.sel $0xFFFF  }
0xce: {  	[dreg:$0x0] =	wrdreg $0xFFFFFFFF;
	(pc) =	sbr.abs _section_cstart, $3  }
0xcf: {  	[dreg:$0x1] =	wrdreg $0xFFFFFFFF  }
0xd0: {  	_ =	task.clear_ibuf [dreg:s22], $0x2FFFF;
	_ =	strace $0x9FFFFFFF  }
0xd1: {  	(tm) =	ssettm $0x7FFFFFFF  }
tec
execute0_lowered:
.L_overlay_start_1:
0x0: {  	(tag) =	ssettag $0x1  }
0x1: {  	s1 =	srdreg.scid  }
0x2: {  	s0 =	stileid.u32;
	s2 =	rddreg [dreg:$0x0]  }
0x3: {  	s5 =	rddreg [dreg:$0x1];
	s4 =	sand.u32 $0x1, s1;
	s30 =	sshll.u32 s0, $0x1  }
0x4: {  	s3 =	simm.s32 $0x0;
	s8 =	simm.s32 $0x5680;
	s1 =	sor.u32 s4, s30  }
0x5: {  	s9 =	simm.s32 $0x1;
	s11 =	simm.s32 $0x3;
	s10 =	smul.u32 $0x4E20, s1  }
.Ltmp0:
0x6: {  	[smem:$0x7FF] =	sst s3;
	s4 =	ssub.s32 $0x2, s4;
	(pc) =	sbr.rel .LBB2_1-.Ltmp0, $4  }
0x7: {  	s12 =	simm.s32 $0x0;
	s1 =	rddreg [dreg:$0x2];
	s7 =	sshrl.u32 s4, $0x1  }
0x8: {  	_ =	strace $0x8000004A;
	s31 =	ssub.s32 s4, s7;
	s6 =	sshrl.u32 s10, $0x3  }
0x9: {  	s4 =	sadd.s32 $0xFA, s2;
	s7 =	simm.s32 $0x4E80;
	s5 =	sadd.s32 s6, s5  }
0xa: {  	v1 =	vimm.s32 $0xFFFFFFFF;
	v2 =	vlaneseq.u32;
	v0 =	vmov s10;
	s10 =	simm.s32 $0x2;
	s6 =	smax.u32 s31, $0x1;
	s5 =	sadd.s32 $0xEBAE00, s5  }
.LBB2_10:
0xb: {  	s12 =	sadd.s32 $0x1, s12  }
0xc: {  	p0 =	sne.s32 s12, s6  }
.Ltmp1:
0xd: {  	_ = 	snop;
	(pc) =	sbr.rel @!p0 .LBB2_11-.Ltmp1, $4  }
0xe: {  	[hbm4b:s5+s3] =	stream.linear.scatter [tilespmem:s3], [sflag:$0x3], $0x4E20, $0x38;
	[tilespmem:$0x5E80] =	vst v63  }
0xf: {  	_ =	swait.ge [sflag:s11], $0x4E20  }
0x10: {  	[sflag:s11] =	ssyncset.done $0x0  }
0x11: {  	[sflag:s11] =	ssyncadd.s32 $0xFFFFB1E0  }
.LBB2_1:
0x12: {  	s13 =	simm.s32 $0x40;
	s14 =	simm.s32 $0x0  }
.LBB2_2:
0x13: {  	p0 =	sne.s32 s13, $0x13840;
	[tilespmem:s14+$0x0] =	vst v1;
	s14 =	smov.u32 s13;
	s13 =	sadd.s32 $0x40, s13  }
.Ltmp2:
0x14: {  	(pc) =	sbr.rel @p0 .LBB2_2-.Ltmp2, $2  }
0x15: {  	_ =	sdelay $0x2  }
0x16: {  	s14 =	sshra.s32 s14, $0x2  }
0x17: {  	[tilespmem:s14+$0x0] =	vst v1;
	s13 =	simm.s32 $0x0  }
0x18: {  	[tilespmem:s7], [sflag:$0x1] =	stream.linear.gather [hbm4b:s2+s13], $0x7D0, $0x38;
	[tilespmem:$0x5E80] =	vst v63  }
0x19: {  	_ = 	snop  }
0x1a: {  	[tilespmem:s8], [sflag:$0x2] =	stream.linear.gather [hbm4b:s4+s13], $0x7D0, $0x38;
	[tilespmem:$0x5E80] =	vst v63  }
.LBB2_4:
0x1b: {  	_ =	swait.ge [sflag:s9], $0x7D0;
	s14 =	smul.u32 $0xFA0, s13  }
0x1c: {  	[sflag:s9] =	ssyncset.done $0x0  }
0x1d: {  	s15 =	simm.s32 $0x0;
	[sflag:s9] =	ssyncadd.s32 $0xFFFFF830;
	v3 =	vor.u32 s14, v2  }
.LBB2_5:
0x1e: {  	s16 =	sshra.s32 s15, $0x2  }
0x1f: {  	v4 =	vld [tilespmem:s16+$0x4E80]  }
0x20: {  	v5 =	vld [tilespmem:s16+$0x4E90]  }
0x21: {  	v6 =	vld [tilespmem:s16+$0x4EA0]  }
0x22: {  	v7 =	vld [tilespmem:s16+$0x4EB0]  }
0x23: {  	v8 =	vld [tilespmem:s16+$0x4EC0]  }
0x24: {  	v4 =	vsub.s32 v4, v0  }
0x25: {  	v5 =	vsub.s32 v5, v0;
	vm0 =	vlt.u32 v4, $0x4E20  }
0x26: {  	v6 =	vsub.s32 v6, v0;
	vm1 =	vlt.u32 v5, $0x4E20  }
0x27: {  	v7 =	vsub.s32 v7, v0;
	vm2 =	vlt.u32 v6, $0x4E20  }
0x28: {  	v8 =	vsub.s32 v8, v0;
	vm3 =	vlt.u32 v7, $0x4E20  }
0x29: {  	vm4 =	vlt.u32 v8, $0x4E20;
	_ =	sdelay $0x1  }
0x2a: {  	v9 =	vadd.s32 $0x10, v3;
	[tilespmem:v4+s3+$0x0] =	vst.idx.msk vm0, v3  }
0x2b: {  	v10 =	vadd.s32 $0x20, v3;
	[tilespmem:v5+s3+$0x0] =	vst.idx.msk vm1, v9  }
0x2c: {  	v11 =	vadd.s32 $0x30, v3;
	[tilespmem:v6+s3+$0x0] =	vst.idx.msk vm2, v10  }
0x2d: {  	v12 =	vadd.s32 $0x40, v3;
	[tilespmem:v7+s3+$0x0] =	vst.idx.msk vm3, v11  }
0x2e: {  	[tilespmem:v8+s3+$0x0] =	vst.idx.msk vm4, v12  }
0x2f: {  	v13 =	vld.idx.msk [tilespmem:v4+s3+$0x0], vm0  }
0x30: {  	v14 =	vld.idx.msk [tilespmem:v5+s3+$0x0], vm1  }
0x31: {  	v15 =	vld.idx.msk [tilespmem:v6+s3+$0x0], vm2  }
0x32: {  	v16 =	vld.idx.msk [tilespmem:v7+s3+$0x0], vm3  }
0x33: {  	v17 =	vld.idx.msk [tilespmem:v8+s3+$0x0], vm4  }
0x34: {  	vm5 =	vgt.s32 v3, v13  }
0x35: {  	vm12 =	vgt.s32 v9, v14;
	vm0 =	vmand vm0, vm5  }
0x36: {  	vm13 =	vgt.s32 v10, v15;
	vm1 =	vmand vm1, vm12  }
0x37: {  	vm14 =	vgt.s32 v11, v16;
	vm2 =	vmand vm2, vm13  }
0x38: {  	vm15 =	vgt.s32 v12, v17;
	vm3 =	vmand vm3, vm14  }
0x39: {  	vm4 =	vmand vm4, vm15  }
0x3a: {  	p0 =	sne.s32 s15, $0x1E00  }
.Ltmp3:
0x3b: {  	[tilespmem:v4+s3+$0x0] =	vst.idx.msk vm0, v3;
	(pc) =	sbr.rel @p0 .LBB2_5-.Ltmp3, $4  }
0x3c: {  	[tilespmem:v5+s3+$0x0] =	vst.idx.msk vm1, v9  }
0x3d: {  	[tilespmem:v6+s3+$0x0] =	vst.idx.msk vm2, v10  }
0x3e: {  	[tilespmem:v7+s3+$0x0] =	vst.idx.msk vm3, v11  }
0x3f: {  	s15 =	sadd.s32 $0x140, s15;
	v3 =	vadd.s32 $0x50, v3;
	[tilespmem:v8+s3+$0x0] =	vst.idx.msk vm4, v12  }
0x40: {  	p0 =	seq.s32 s13, $0x4F  }
0x41: {  	s15 =	sshrl.u32 @!p0 s14, $0x3  }
0x42: {  	s15 =	sadd.s32 @!p0 s2, s15  }
0x43: {  	s16 =	simm.s32 @!p0 $0x0;
	s17 =	simm.s32 @!p0 $0x4E80;
	s15 =	sadd.s32 @!p0 $0x1F4, s15  }
0x44: {  	[tilespmem:s17], [sflag:$0x1] =	stream.linear.gather @!p0 [hbm4b:s15+s16], $0x7D0, $0x38;
	[tilespmem:$0x5E80] =	vst v63  }
0x45: {  	_ =	swait.ge [sflag:s10], $0x7D0  }
0x46: {  	s31 =	sadd.s32 $0x7D0, s14;
	[sflag:s10] =	ssyncset.done $0x0  }
0x47: {  	v3 =	vor.u32 s31, v2;
	s15 =	simm.s32 $0x0;
	[sflag:s10] =	ssyncadd.s32 $0xFFFFF830  }
.LBB2_7:
0x48: {  	s16 =	sshra.s32 s15, $0x2  }
0x49: {  	v4 =	vld [tilespmem:s16+$0x5680]  }
0x4a: {  	v5 =	vld [tilespmem:s16+$0x5690]  }
0x4b: {  	v6 =	vld [tilespmem:s16+$0x56A0]  }
0x4c: {  	v7 =	vld [tilespmem:s16+$0x56B0]  }
0x4d: {  	v8 =	vld [tilespmem:s16+$0x56C0]  }
0x4e: {  	v4 =	vsub.s32 v4, v0  }
0x4f: {  	v5 =	vsub.s32 v5, v0;
	vm0 =	vlt.u32 v4, $0x4E20  }
0x50: {  	v6 =	vsub.s32 v6, v0;
	vm1 =	vlt.u32 v5, $0x4E20  }
0x51: {  	v7 =	vsub.s32 v7, v0;
	vm2 =	vlt.u32 v6, $0x4E20  }
0x52: {  	v8 =	vsub.s32 v8, v0;
	vm3 =	vlt.u32 v7, $0x4E20  }
0x53: {  	vm4 =	vlt.u32 v8, $0x4E20;
	_ =	sdelay $0x1  }
0x54: {  	v9 =	vadd.s32 $0x10, v3;
	[tilespmem:v4+s3+$0x0] =	vst.idx.msk vm0, v3  }
0x55: {  	v10 =	vadd.s32 $0x20, v3;
	[tilespmem:v5+s3+$0x0] =	vst.idx.msk vm1, v9  }
0x56: {  	v11 =	vadd.s32 $0x30, v3;
	[tilespmem:v6+s3+$0x0] =	vst.idx.msk vm2, v10  }
0x57: {  	v12 =	vadd.s32 $0x40, v3;
	[tilespmem:v7+s3+$0x0] =	vst.idx.msk vm3, v11  }
0x58: {  	[tilespmem:v8+s3+$0x0] =	vst.idx.msk vm4, v12  }
0x59: {  	v13 =	vld.idx.msk [tilespmem:v4+s3+$0x0], vm0  }
0x5a: {  	v14 =	vld.idx.msk [tilespmem:v5+s3+$0x0], vm1  }
0x5b: {  	v15 =	vld.idx.msk [tilespmem:v6+s3+$0x0], vm2  }
0x5c: {  	v16 =	vld.idx.msk [tilespmem:v7+s3+$0x0], vm3  }
0x5d: {  	v17 =	vld.idx.msk [tilespmem:v8+s3+$0x0], vm4  }
0x5e: {  	vm5 =	vgt.s32 v3, v13  }
0x5f: {  	vm12 =	vgt.s32 v9, v14;
	vm0 =	vmand vm0, vm5  }
0x60: {  	vm13 =	vgt.s32 v10, v15;
	vm1 =	vmand vm1, vm12  }
0x61: {  	vm14 =	vgt.s32 v11, v16;
	vm2 =	vmand vm2, vm13  }
0x62: {  	vm15 =	vgt.s32 v12, v17;
	vm3 =	vmand vm3, vm14  }
0x63: {  	vm4 =	vmand vm4, vm15  }
0x64: {  	p1 =	sne.s32 s15, $0x1E00  }
.Ltmp4:
0x65: {  	[tilespmem:v4+s3+$0x0] =	vst.idx.msk vm0, v3;
	(pc) =	sbr.rel @p1 .LBB2_7-.Ltmp4, $4  }
0x66: {  	[tilespmem:v5+s3+$0x0] =	vst.idx.msk vm1, v9  }
0x67: {  	[tilespmem:v6+s3+$0x0] =	vst.idx.msk vm2, v10  }
0x68: {  	[tilespmem:v7+s3+$0x0] =	vst.idx.msk vm3, v11  }
0x69: {  	s15 =	sadd.s32 $0x140, s15;
	v3 =	vadd.s32 $0x50, v3;
	[tilespmem:v8+s3+$0x0] =	vst.idx.msk vm4, v12  }
.Ltmp5:
0x6a: {  	(pc) =	sbr.rel @p0 .LBB2_10-.Ltmp5, $1  }
0x6b: {  	_ =	sdelay $0x3  }
.Ltmp6:
0x6c: {  	(pc) =	sbr.rel .LBB2_4-.Ltmp6, $4  }
0x6d: {  	s14 =	sshrl.u32 s14, $0x3  }
0x6e: {  	s14 =	sadd.s32 s2, s14  }
0x6f: {  	s13 =	sadd.s32 $0x1, s13;
	s14 =	sadd.s32 $0x2EE, s14  }
0x70: {  	[tilespmem:s8], [sflag:$0x2] =	stream.linear.gather [hbm4b:s14+s3], $0x7D0, $0x38;
	[tilespmem:$0x5E80] =	vst v63  }
.LBB2_11:
0x71: {  	_ =	sfence.sel $0x180000  }
0x72: {  	[bflag:$0x0] =	sbarrier.arrive $0xFFFF  }
0x73: {  	p0 =	sne.s32 s0, $0x0;
	_ =	strace $0x9000004A  }
0x74: {  	s0 =	sadd.s32 @!p0 $0x100000, s1;
	[bflag:$0x2] =	sbarrier.arrive $0xFFFF  }
0x75: {  	[sflag:s0] =	ssyncadd.tile.s32 @!p0 $0x1;
	_ =	shalt  }
.Lfunc_end2:
_tile_overlayer_lowered:
.L_overlay_start_2:
0x76: {  	(tag) =	ssettag $0x2  }
0x77: {  	s0 =	rddreg [dreg:$0x0];
	s2 =	stileid.u32  }
0x78: {  	s1 =	rddreg [dreg:$0x1];
	p0 =	sne.s32 s2, $0x0  }
0x79: {  	s3 =	rddreg [dreg:$0x2];
	[bflag:$0x3] =	sbarrier.arrive $0xFFFF;
	s2 =	simm.s32 @!p0 $0x1C03  }
0x7a: {  	[timem:s3], [sflag:s2] =	dma.local @!p0 [hbm:s0], s1  }
0x7b: {  	s0 =	simm.s32 @!p0 $0x3  }
0x7c: {  	_ =	swait.ge @!p0 [sflag:s0], s1  }
0x7d: {  	s1 =	ssub.s32 @!p0 $0x0, s1;
	[sflag:s0] =	ssyncset.done @!p0 $0x0  }
0x7e: {  	[sflag:s0] =	ssyncadd.s32 @!p0 s1  }
0x7f: {  	[bflag:$0x3] =	sbarrier.arrive $0xFFFF  }
0x80: {  	_ =	shalt  }

// kernel: kernel.13.cloned.1.call-start
scs
__scs_entry_jumppad:
0x0: {  	(pc) =	sbr.rel $0x88, $3  }
0x1: {  	(tag) =	ssettag $0x0;
	lr =	simm.s32 $0x1  }
0x2: {  	[smem:$0x3F99] =	sst lr;
	_ =	strace $0xD0000000  }
0x3: {  	_ = 	snop  }
0x4: {  	_ = 	snop  }
0x5: {  	_ = 	snop  }
0x6: {  	_ = 	snop  }
0x7: {  	_ = 	snop  }
__scs_overlays_trampoline_lowered:
0x8: {  	[smem:$0x3FA8] =	sst s0  }
0x9: {  	[smem:$0x3FA9] =	sst s1  }
0xa: {  	[smem:$0x3FAA] =	sst s2  }
0xb: {  	[smem:$0x3FAB] =	sst s3  }
0xc: {  	[smem:$0x3FAC] =	sst s4  }
0xd: {  	[smem:$0x3FAD] =	sst s5  }
0xe: {  	[smem:$0x3FAE] =	sst s6  }
0xf: {  	[smem:$0x3FAF] =	sst s7  }
0x10: {  	[smem:$0x3FB0] =	sst s8  }
0x11: {  	[smem:$0x3FB1] =	sst s9;
	s0 =	simm.s32 @!p0 $0x0  }
0x12: {  	s1 =	sld [smem:$0x3F97];
	s0 =	simm.s32 @p0 $0x1  }
0x13: {  	[smem:$0x3FB2] =	sst s0;
	s0 =	simm.s32 @!p1 $0x0  }
0x14: {  	s2 =	sld [smem:$0x3F96];
	s0 =	simm.s32 @p1 $0x1  }
0x15: {  	[smem:$0x3FB3] =	sst s0;
	s0 =	simm.s32 @!p2 $0x0  }
0x16: {  	s3 =	sld [smem:$0x3FDB];
	s0 =	simm.s32 @p2 $0x1  }
0x17: {  	s4 =	simm.s32 $0x1BF5;
	[smem:$0x3FB5] =	sst s0  }
0x18: {  	s0 =	sld [smem:$0x3F98];
	_ =	swait.ge [sflag:s4], $0x0  }
0x19: {  	s7 =	sld [smem:$0x3F99]  }
0x1a: {  	s8 =	sadd.s32 $0xFFFFE003, lr  }
0x1b: {  	s9 =	sadd.s32 $0xFFFFFEF7, lr;
	s5 =	simm.s32 $0xFFFFFFFF;
	p2 =	slt.u32 s8, $0xFFFFF086  }
0x1c: {  	p1 =	slt.u32 s9, $0xF7A;
	s5 =	simm.s32 @!p2 $0x0  }
0x1d: {  	s5 =	simm.s32 @p1 $0x1;
	p0 =	seq.s32 s7, s2  }
0x1e: {  	s7 =	smul.u32 @!p0 $0xF7A, s2;
	p2 =	seq.s32 @!p0 s5, $0x0  }
0x1f: {  	s9 =	smul.u32 $0xF7A, s1;
	s8 =	simm.s32 @!p0 $0x1BF5;
	p2 =	por !p2, p0  }
0x20: {  	[sflag:s8] =	ssyncset.s32 @!p0 $0xFFFFF086;
	s6 =	sadd.s32 @!p0 s3, s7;
	s7 =	simm.s32 @!p0 $0x108  }
0x21: {  	s3 =	sadd.s32 s3, s9;
	s6 =	sadd.s32 @!p0 $0x88, s6;
	s7 =	simm.s32 @p2 $0x1082  }
0x22: {  	[simem:s7], [sflag:s8] =	dma.local @!p0 [hbm:s6], $0xF7A  }
0x23: {  	s9 =	sor.u32 $0xD0000000, s2;
	s6 =	simm.s32 $0x108;
	_ =	swait.ge @!p0 [sflag:s8], $0x0  }
0x24: {  	s3 =	sadd.s32 $0x88, s3;
	s6 =	simm.s32 @!p1 $0x1082;
	[sflag:s4] =	ssyncset.s32 $0xFFFFF086  }
0x25: {  	[simem:s6], [sflag:s4] =	dma.local [hbm:s3], $0xF7A  }
0x26: {  	[smem:$0x3F99] =	sst s1;
	(tag) =	ssettag s2;
	_ =	strace s9  }
0x27: {  	s1 =	sld [smem:$0x3FA9]  }
0x28: {  	s2 =	sld [smem:$0x3FAA]  }
0x29: {  	s4 =	sld [smem:$0x3FAC]  }
0x2a: {  	p0 =	seq.s32 s5, $0x0;
	s5 =	sld [smem:$0x3FAD]  }
0x2b: {  	s6 =	sld [smem:$0x3FAE]  }
0x2c: {  	s7 =	sld [smem:$0x3FAF]  }
0x2d: {  	s3 =	simm.s32 $0x108;
	s8 =	sld [smem:$0x3FB0]  }
0x2e: {  	s3 =	simm.s32 @!p0 $0x1082;
	s9 =	sld [smem:$0x3FB1]  }
0x2f: {  	lr =	sadd.s32 s0, s3;
	s0 =	sld [smem:$0x3FA8]  }
0x30: {  	s3 =	sld [smem:$0x3FAB]  }
0x31: {  	[smem:$0x3FB4] =	sst s10  }
0x32: {  	s10 =	sld [smem:$0x3FB2];
	_ =	sdelay $0x3  }
0x33: {  	p0 =	seq.s32 s10, $0x1;
	s10 =	sld [smem:$0x3FB4];
	_ =	sdelay $0x3  }
0x34: {  	[smem:$0x3FB4] =	sst s10  }
0x35: {  	s10 =	sld [smem:$0x3FB3];
	_ =	sdelay $0x3  }
0x36: {  	p1 =	seq.s32 s10, $0x1;
	s10 =	sld [smem:$0x3FB4];
	_ =	sdelay $0x3  }
0x37: {  	[smem:$0x3FB4] =	sst s10  }
0x38: {  	s10 =	sld [smem:$0x3FB5]  }
0x39: {  	_ = 	snop;
	(pc) =	sbr.ind lr, $3  }
0x3a: {  	_ = 	snop  }
0x3b: {  	_ = 	snop  }
0x3c: {  	p2 =	seq.s32 s10, $0x1;
	s10 =	sld [smem:$0x3FB4]  }
0x3d: {  	_ =	shalt  }
0x3e: {  	_ =	shalt  }
0x3f: {  	_ =	shalt  }
0x40: {  	_ =	shalt  }
0x41: {  	_ =	shalt  }
0x42: {  	_ =	shalt  }
0x43: {  	_ =	shalt  }
0x44: {  	_ =	shalt  }
0x45: {  	_ =	shalt  }
0x46: {  	_ =	shalt  }
0x47: {  	_ =	shalt  }
0x48: {  	_ =	shalt  }
0x49: {  	_ =	shalt  }
0x4a: {  	_ =	shalt  }
0x4b: {  	_ =	shalt  }
0x4c: {  	_ =	shalt  }
0x4d: {  	_ =	shalt  }
0x4e: {  	_ =	shalt  }
0x4f: {  	_ =	shalt  }
0x50: {  	_ =	shalt  }
0x51: {  	_ =	shalt  }
0x52: {  	_ =	shalt  }
0x53: {  	_ =	shalt  }
0x54: {  	_ =	shalt  }
0x55: {  	_ =	shalt  }
0x56: {  	_ =	shalt  }
0x57: {  	_ =	shalt  }
0x58: {  	_ =	shalt  }
0x59: {  	_ =	shalt  }
0x5a: {  	_ =	shalt  }
0x5b: {  	_ =	shalt  }
0x5c: {  	_ =	shalt  }
0x5d: {  	_ =	shalt  }
0x5e: {  	_ =	shalt  }
0x5f: {  	_ =	shalt  }
0x60: {  	_ =	shalt  }
0x61: {  	_ =	shalt  }
0x62: {  	_ =	shalt  }
0x63: {  	_ =	shalt  }
0x64: {  	_ =	shalt  }
0x65: {  	_ =	shalt  }
0x66: {  	_ =	shalt  }
0x67: {  	_ =	shalt  }
0x68: {  	_ =	shalt  }
0x69: {  	_ =	shalt  }
0x6a: {  	_ =	shalt  }
0x6b: {  	_ =	shalt  }
0x6c: {  	_ =	shalt  }
0x6d: {  	_ =	shalt  }
0x6e: {  	_ =	shalt  }
0x6f: {  	_ =	shalt  }
0x70: {  	_ =	shalt  }
0x71: {  	_ =	shalt  }
0x72: {  	_ =	shalt  }
0x73: {  	_ =	shalt  }
0x74: {  	_ =	shalt  }
0x75: {  	_ =	shalt  }
0x76: {  	_ =	shalt  }
0x77: {  	_ =	shalt  }
0x78: {  	_ =	shalt  }
0x79: {  	_ =	shalt  }
0x7a: {  	_ =	shalt  }
0x7b: {  	_ =	shalt  }
0x7c: {  	_ =	shalt  }
0x7d: {  	_ =	shalt  }
0x7e: {  	_ =	shalt  }
0x7f: {  	_ =	shalt  }
0x80: {  	_ =	shalt  }
0x81: {  	_ =	shalt  }
0x82: {  	_ =	shalt  }
0x83: {  	_ =	shalt  }
0x84: {  	_ =	shalt  }
0x85: {  	_ =	shalt  }
0x86: {  	_ =	shalt  }
0x87: {  	_ =	shalt  }
.Lfunc_end0:
.L_simem_size_0:
called_computation.2_lowered:
.L_overlay_start_0:
0x88: {  	s2 =	sld [smem:$0x3FD9]  }
0x89: {  	s3 =	sld [smem:$0x3FFE];
	_ =	sdelay $0x1  }
0x8a: {  	s1 =	srdreg.scid  }
0x8b: {  	s0 =	sand.u32 $0x1, s1  }
0x8c: {  	s17 =	sshll.u32 s0, $0xA;
	s2 =	sadd.s32 s3, s2  }
0x8d: {  	s2 =	sadd.s32 s2, s17  }
0x8e: {  	[smem:$0x3FC0] =	sst s2  }
0x8f: {  	_ = 	snop  }
0x90: {  	s2 =	sld [smem:$0x3FD0];
	(tm) =	ssettm $0x1  }
0x91: {  	s18 =	sld [smem:$0x3FFB];
	_ =	sdelay $0x3  }
0x92: {  	_ =	strace s18  }
0x93: {  	s3 =	sld [smem:$0x3FFC];
	_ =	sdelay $0x3  }
0x94: {  	_ =	strace s3  }
0x95: {  	s3 =	sld [smem:$0x3FFD];
	_ =	sdelay $0x3  }
0x96: {  	_ =	strace s3  }
0x97: {  	_ =	strace $0x8FFFFFFF  }
0x98: {  	s19 =	sld [smem:$0x3FDB];
	_ =	sdelay $0x1  }
0x99: {  	s4 =	simm.s32 $_scs_section_size  }
0x9a: {  	s5 =	simm.s32 $_size__tile_overlayer_lowered;
	s6 =	simm.s32 $_tile_overlayer_lowered  }
0x9b: {  	s22 =	simm.s32 $0x1BFF;
	s21 =	sshll.u32 s6, $0x1;
	s3 =	sadd.s32 s4, s19  }
0x9c: {  	s7 =	simm.s32 $0x0;
	s20 =	sshll.u32 s5, $0x1;
	s5 =	sadd.s32 s21, s3  }
0x9d: {  	[timem:s7], [sflag:s22] =	dma.local [hbm:s5], s20  }
0x9e: {  	_ =	swait.ge [sflag:s22], s20  }
0x9f: {  	s4 =	ssub.s32 $0x0, s20;
	[sflag:s22] =	ssyncset.done $0x0  }
0xa0: {  	[sflag:s22] =	ssyncadd.s32 s4;
	_ =	sdelay $0x1  }
0xa1: {  	s23 =	simm.s32 $0x1B8B  }
0xa2: {  	_ =	swait.ge [sflag:s23], $0x1  }
0xa3: {  	[sflag:s23] =	ssyncset.done $0x0  }
0xa4: {  	s25 =	simm.s32 $0x1B8E;
	s24 =	sld [smem:$0x3FFE];
	[sflag:s23] =	ssyncadd.s32 $0xFFFFFFFF  }
0xa5: {  	s26 =	simm.s32 $execute0_lowered;
	[smem:$0x3FD2] =	sst s25  }
0xa6: {  	s5 =	sshll.u32 s26, $0x1;
	_ =	strace $0x8000004C;
	[dreg:$0x1] =	wrdreg $0xFFFFFFFF  }
0xa7: {  	s28 =	simm.s32 $_size_execute0_lowered;
	s3 =	sadd.s32 s3, s5;
	[dreg:$0x0] =	wrdreg $0x0  }
0xa8: {  	s5 =	sshll.u32 s28, $0x1;
	[dreg:$0x2] =	wrdreg s3  }
0xa9: {  	[dreg:$0x3] =	wrdreg s5  }
0xaa: {  	[dreg:$0x4] =	wrdreg $0xC0  }
0xab: {  	_ =	task [dreg:s7], $0x5FFFF  }
0xac: {  	[dreg:$0x1] =	wrdreg $0xFFFFFFFF  }
0xad: {  	[dreg:$0x0] =	wrdreg $0x60  }
0xae: {  	[dreg:$0x2] =	wrdreg s24  }
0xaf: {  	[dreg:$0x3] =	wrdreg s2  }
0xb0: {  	[dreg:$0x4] =	wrdreg $0x9  }
0xb1: {  	_ =	task.clear_ibuf [dreg:s7], $0x5FFFF;
	_ =	strace $0x9000004C  }
0xb2: {  	s29 =	simm.s32 $0x9;
	_ =	strace $0x8000004E  }
0xb3: {  	_ =	swait.ge [sflag:s29], $0x1  }
0xb4: {  	[sflag:s29] =	ssyncadd.s32 $0xFFFFFFFF  }
0xb5: {  	_ =	strace $0x9000004E  }
0xb6: {  	_ =	sfence  }
0xb7: {  	s30 =	sld [smem:$0x0];
	_ =	sdelay $0x2  }
0xb8: {  	s31 =	sshll.u32 s1, $0xD;
	s1 =	sshrl.u32 s1, $0x2  }
0xb9: {  	s3 =	sand.u32 $0x4000, s31;
	s1 =	sadd.s32 s1, s30  }
0xba: {  	s0 =	sor.u32 s3, s0;
	s1 =	sshll.u32 s1, $0x11  }
0xbb: {  	s0 =	sor.u32 s1, s0  }
0xbc: {  	s0 =	sadd.s32 $0x8F2B, s0  }
0xbd: {  	[sflag:s0] =	ssyncadd.remote.s32 $0x1  }
0xbe: {  	_ =	sfence.sel $0xFFFF  }
0xbf: {  	[dreg:$0x0] =	wrdreg $0xFFFFFFFF;
	(pc) =	sbr.abs _section_cstart, $3  }
0xc0: {  	[dreg:$0x1] =	wrdreg $0xFFFFFFFF  }
0xc1: {  	_ =	task.clear_ibuf [dreg:s7], $0x2FFFF;
	_ =	strace $0x9FFFFFFF  }
0xc2: {  	(tm) =	ssettm $0x7FFFFFFF  }
0xc3: {  	_ =	shalt  }
tec
execute0_lowered:
.L_overlay_start_1:
0x0: {  	(tag) =	ssettag $0x1  }
0x1: {  	s4 =	rddreg [dreg:$0x0]  }
0x2: {  	s1 =	srdreg.scid;
	s0 =	stileid.u32  }
0x3: {  	s2 =	rddreg [dreg:$0x1];
	s3 =	simm.s32 $0x0;
	s11 =	simm.s32 $0x80  }
0x4: {  	s5 =	sand.u32 $0x1, s1;
	s6 =	sshll.u32 s0, $0x1;
	s8 =	smul.u32 $0x9C40, s0  }
0x5: {  	s12 =	simm.s32 $0xEE80;
	s6 =	sor.u32 s5, s6;
	s10 =	smul.u32 $0x4E20, s5  }
0x6: {  	s13 =	simm.s32 $0x0;
	s7 =	ssub.s32 $0x2, s5;
	s6 =	smul.u32 $0x4E20, s6  }
.Ltmp0:
0x7: {  	[smem:$0x7FF] =	sst s3;
	s9 =	sshrl.u32 s7, $0x1;
	(pc) =	sbr.rel .LBB2_1-.Ltmp0, $4  }
0x8: {  	v0 =	vlaneseq.u32;
	s1 =	rddreg [dreg:$0x2];
	_ =	strace $0x8000004D;
	s31 =	ssub.s32 s7, s9  }
0x9: {  	v2 =	vor.u32 $0x10, v0;
	v3 =	vor.u32 $0x20, v0;
	s7 =	sadd.s32 s10, s8;
	s8 =	simm.s32 $0x5;
	s6 =	sshrl.u32 s6, $0x3  }
0xa: {  	v4 =	vor.u32 $0x30, v0;
	v5 =	vor.u32 $0x40, v0;
	v6 =	vor.u32 $0x50, v0;
	s9 =	simm.s32 $0x4E80;
	s10 =	simm.s32 $0x9E80;
	s30 =	sadd.s32 s6, s4  }
0xb: {  	v1 =	vimm.s32 $0x0;
	v7 =	vor.u32 $0x60, v0;
	v8 =	vor.u32 $0x70, v0;
	s4 =	sadd.s32 $0xECE800, s4;
	s6 =	smax.u32 s31, $0x1;
	s5 =	sadd.s32 $0xEBAE00, s30  }
.LBB2_6:
0xc: {  	[sflag:s18] =	ssyncadd.s32 $0xFFFFC000  }
.LBB2_7:
0xd: {  	s13 =	sadd.s32 $0x1, s13  }
0xe: {  	p0 =	sne.s32 s13, s6  }
.Ltmp1:
0xf: {  	_ = 	snop;
	(pc) =	sbr.rel @!p0 .LBB2_8-.Ltmp1, $1  }
0x10: {  	_ =	sdelay $0x3  }
.LBB2_1:
0x11: {  	[tilespmem:s3], [sflag:$0x5] =	stream.linear.gather [hbm4b:s5+s3], $0x4E20, $0x38;
	[tilespmem:$0x16E80] =	vst v63  }
0x12: {  	_ =	swait.ge [sflag:s8], $0x4E20  }
0x13: {  	[sflag:s8] =	ssyncset.done $0x0  }
0x14: {  	s14 =	simm.s32 $0x0;
	[sflag:s8] =	ssyncadd.s32 $0xFFFFB1E0  }
0x15: {  	v9 =	vld [tilespmem:s14+$0x0];
	_ =	sdelay $0x4  }
0x16: {  	vm0 =	vgt.s32 v9, $0xFFFFFFFF  }
0x17: {  	v10 =	vsel vm0, $0x1, v1  }
0x18: {  	(xrf0) =	vadd.scan.msk.s32 $0xffff, v10;
	_ =	sdelay $0x5  }
0x19: {  	v10, _, _ =	vpop (xrf0)  }
0x1a: {  	v10 =	vadd.s32 v10, v1  }
0x1b: {  	v10 =	vadd.s32 $0xFFFFFFFF, v10;
	_ =	sdelay $0x3  }
0x1c: {  	v12 =	vor.u32 s7, v0;
	v11 =	vmpcnt.ones.xlane vm0  }
0x1d: {  	[tilespmem:v10+s9+$0x0] =	vst.idx.msk vm0, v12  }
0x1e: {  	s31 =	simm.s32 $0x10;
	v11 =	vadd.s32 v1, v11;
	[tilespmem:v10+s10+$0x0] =	vst.idx.msk vm0, v9  }
0x1f: {  	s15 =	simm.s32 $0x80;
	s14 =	smov.u32 s7;
	v10 =	vmov v11;
	v9 =	vld [tilespmem:s31+$0x0]  }
.LBB2_2:
0x20: {  	p0 =	sne.s32 s15, $0x13840;
	_ =	sdelay $0x3  }
0x21: {  	vm0 =	vgt.s32 v9, $0xFFFFFFFF  }
0x22: {  	v12 =	vsel vm0, $0x1, v1;
	v13 =	vmpcnt.ones.xlane vm0  }
0x23: {  	(xrf0) =	vadd.scan.msk.s32 $0xffff, v12  }
0x24: {  	v11 =	vadd.s32 v11, v13;
	_ =	sdelay $0x4  }
0x25: {  	v12, _, _ =	vpop (xrf0)  }
0x26: {  	v12 =	vadd.s32 v12, v10;
	v10 =	vmov v11  }
0x27: {  	v12 =	vadd.s32 $0xFFFFFFFF, v12;
	_ =	sdelay $0x2  }
.Ltmp2:
0x28: {  	s14 =	sadd.s32 $0x10, s14;
	(pc) =	sbr.rel @p0 .LBB2_2-.Ltmp2, $4  }
0x29: {  	v13 =	vor.u32 s14, v0  }
0x2a: {  	[tilespmem:v12+s9+$0x0] =	vst.idx.msk vm0, v13  }
0x2b: {  	s16 =	sshra.s32 s15, $0x2;
	[tilespmem:v12+s10+$0x0] =	vst.idx.msk vm0, v9  }
0x2c: {  	s15 =	sadd.s32 $0x40, s15;
	v9 =	vld [tilespmem:s16+$0x0]  }
0x2d: {  	_ =	sdelay $0x3  }
0x2e: {  	vm0 =	vgt.s32 v9, $0xFFFFFFFF  }
0x2f: {  	v12 =	vmpcnt.ones.xlane vm0;
	_ =	sdelay $0x1  }
0x30: {  	v13 =	vsel vm0, $0x1, v1;
	v11 =	vadd.s32 v11, v12  }
0x31: {  	(xrf0) =	vadd.scan.msk.s32 $0xffff, v13;
	v12 =	vxor.u32 $0x80000000, v11  }
0x32: {  	(xrf0) =	vmax.scan.msk.u32 $0xffff, v12;
	_ =	sdelay $0x4  }
0x33: {  	v56, _, _ =	vpop (xrf0)  }
0x34: {  	v57, _, _ =	vpop (xrf0)  }
0x35: {  	(v2sf) =	vpush v57, $0xF;
	_ =	sdelay $0x6  }
0x36: {  	v10 =	vadd.s32 v56, v10  }
0x37: {  	v10 =	vadd.s32 $0xFFFFFFFF, v10;
	_ =	sdelay $0x2  }
0x38: {  	s14 =	sadd.s32 $0x10, s14  }
0x39: {  	v58 =	vor.u32 s14, v0;
	v59 =	vadd.s32 $0x7F, v11  }
0x3a: {  	v61 =	vadd.s32 v0, v11;
	v60 =	vand.u32 $0xFFFFFF80, v59;
	[tilespmem:v10+s9+$0x0] =	vst.idx.msk vm0, v58  }
0x3b: {  	s15 =	simm.s32 $0x4E80;
	vm11 =	vlt.s32 v61, v60;
	[tilespmem:v10+s10+$0x0] =	vst.idx.msk vm0, v9  }
0x3c: {  	s16 =	simm.s32 $0x9E80;
	v10 =	vadd.s32 v2, v11;
	v9 =	vld.msk [tilespmem:s15+$0x0], $0xffff;
	s28 =	spop (v2sf)  }
0x3d: {  	v14 =	vld.msk [tilespmem:s16+$0x0], $0xffff;
	vm1 =	vlt.s32 v10, v60;
	s14 =	sadd.s32 $0x8000007F, s28  }
0x3e: {  	v15 =	vadd.s32 v3, v11;
	s17 =	sand.u32 $0x7F, s14  }
0x3f: {  	vm2 =	vlt.s32 v15, v60;
	s18 =	sshra.s32 s14, $0x1F;
	p0 =	slt.s32 s14, $0x1;
	p1 =	sne.s32 s17, $0x0  }
0x40: {  	v16 =	vadd.s32 v4, v11;
	s29 =	sshrl.u32 s18, $0x19;
	p0 =	por !p0, !p1  }
0x41: {  	vm3 =	vlt.s32 v16, v60;
	[tilespmem:v61+s15+$0x0] =	vst.idx.msk vm11, v9;
	s17 =	simm.s32 $0x1;
	s14 =	sadd.s32 s29, s14;
	p0 =	por !p0, !p0  }
0x42: {  	v62 =	vadd.s32 v5, v11;
	[tilespmem:v61+s16+$0x0] =	vst.idx.msk vm11, v14;
	s14 =	sshra.s32 s14, $0x7;
	s17 =	simm.s32 @!p0 $0x0  }
0x43: {  	vm12 =	vlt.s32 v62, v60;
	[tilespmem:v10+s15+$0x0] =	vst.idx.msk vm1, v9;
	s14 =	ssub.s32 s14, s17  }
0x44: {  	[tilespmem:v10+s16+$0x0] =	vst.idx.msk vm1, v14;
	v10 =	vadd.s32 v6, v11;
	s17 =	sadd.s32 $0x1, s14  }
0x45: {  	[tilespmem:v15+s15+$0x0] =	vst.idx.msk vm2, v9;
	vm13 =	vlt.s32 v10, v60;
	s30 =	sand.u32 $0x1, s17  }
0x46: {  	v63 =	vadd.s32 v7, v11;
	[tilespmem:v15+s16+$0x0] =	vst.idx.msk vm2, v14;
	p5 =	slt.s32 s14, $0x0;
	p6 =	seq.s32 s30, $0x1  }
0x47: {  	vm14 =	vlt.s32 v63, v60;
	[tilespmem:v16+s15+$0x0] =	vst.idx.msk vm3, v9;
	s31 =	sshrl.u32 s17, $0x1F;
	p0 =	por !p5, !p6  }
0x48: {  	v11 =	vadd.s32 v8, v11;
	[tilespmem:v16+s16+$0x0] =	vst.idx.msk vm3, v14;
	s18 =	simm.s32 $0x1;
	s17 =	sadd.s32 s31, s17;
	p0 =	por !p0, !p0  }
0x49: {  	vm15 =	vlt.s32 v11, v60;
	[tilespmem:v62+s15+$0x0] =	vst.idx.msk vm12, v9;
	s17 =	sshra.s32 s17, $0x1;
	s18 =	simm.s32 @!p0 $0x0  }
0x4a: {  	[tilespmem:v62+s16+$0x0] =	vst.idx.msk vm12, v14;
	s17 =	ssub.s32 s17, s18  }
0x4b: {  	[tilespmem:v10+s15+$0x0] =	vst.idx.msk vm13, v9;
	p0 =	slt.s32 s17, $0x1  }
.Ltmp3:
0x4c: {  	[tilespmem:v10+s16+$0x0] =	vst.idx.msk vm13, v14;
	(pc) =	sbr.rel @p0 .LBB2_7-.Ltmp3, $4  }
0x4d: {  	[tilespmem:v63+s15+$0x0] =	vst.idx.msk vm14, v9  }
0x4e: {  	[tilespmem:v63+s16+$0x0] =	vst.idx.msk vm14, v14  }
0x4f: {  	[tilespmem:v11+s15+$0x0] =	vst.idx.msk vm15, v9  }
0x50: {  	s19 =	simm.s32 $0x1;
	[tilespmem:v11+s16+$0x0] =	vst.idx.msk vm15, v14  }
0x51: {  	p0 =	sge.s32 s19, s14  }
0x52: {  	[tilespmem:s12], [sflag:$0x1] =	stream.indirect.gather [hbm4b:s4+s11], $0x80, s16, s11, $0xb8;
	[tilespmem:$0x16E80] =	vst v63  }
0x53: {  	s18 =	simm.s32 @p0 $0x1  }
0x54: {  	_ =	swait.ge @p0 [sflag:s18], $0x4000  }
0x55: {  	s20 =	simm.s32 @!p0 $0x1;
	[sflag:s18] =	ssyncset.done @p0 $0x0  }
0x56: {  	s21 =	simm.s32 @p0 $0xEE80;
	[sflag:s18] =	ssyncadd.s32 @p0 $0xFFFFC000;
	s18 =	simm.s32 @p0 $0x80  }
0x57: {  	[hbm4b:s2+s18] =	stream.indirect.scatter @p0 [tilespmem:s21], [sflag:$0x3], $0x80, s15, s18, $0xb8;
	[tilespmem:$0x16E80] =	vst v63  }
0x58: {  	s22 =	simm.s32 @!p0 $0x12E80;
	s18 =	sadd.s32 @!p0 $0x80, s16;
	s21 =	simm.s32 @!p0 $0x80  }
0x59: {  	[tilespmem:s22], [sflag:$0x2] =	stream.indirect.gather @!p0 [hbm4b:s4+s21], $0x80, s18, s21, $0xb8;
	[tilespmem:$0x16E80] =	vst v63  }
0x5a: {  	_ =	swait.ge @!p0 [sflag:s20], $0x4000  }
0x5b: {  	[sflag:s20] =	ssyncset.done @!p0 $0x0  }
0x5c: {  	s18 =	simm.s32 @!p0 $0xEE80;
	[sflag:s20] =	ssyncadd.s32 @!p0 $0xFFFFC000;
	s20 =	simm.s32 @!p0 $0x2  }
0x5d: {  	[hbm4b:s2+s21] =	stream.indirect.scatter @!p0 [tilespmem:s18], [sflag:$0x3], $0x80, s15, s21, $0xb8;
	[tilespmem:$0x16E80] =	vst v63  }
0x5e: {  	_ =	swait.ge @!p0 [sflag:s20], $0x4000  }
0x5f: {  	[sflag:s20] =	ssyncset.done @!p0 $0x0  }
0x60: {  	s18 =	sadd.s32 @!p0 $0x80, s15;
	[sflag:s20] =	ssyncadd.s32 @!p0 $0xFFFFC000;
	s20 =	simm.s32 @!p0 $0x3  }
0x61: {  	[hbm4b:s2+s21] =	stream.indirect.scatter @!p0 [tilespmem:s22], [sflag:$0x4], $0x80, s18, s21, $0xb8;
	[tilespmem:$0x16E80] =	vst v63  }
0x62: {  	_ =	swait.ge @!p0 [sflag:s20], $0x4000  }
0x63: {  	s17 =	sadd.s32 $0xFFFFFFFF, s17;
	s18 =	simm.s32 @!p0 $0x4;
	[sflag:s20] =	ssyncset.done @!p0 $0x0  }
0x64: {  	s18 =	simm.s32 @p0 $0x3;
	[sflag:s20] =	ssyncadd.s32 @!p0 $0xFFFFC000;
	p0 =	sne.s32 s17, $0x0  }
.Ltmp4:
0x65: {  	_ = 	snop;
	(pc) =	sbr.rel @!p0 .LBB2_6-.Ltmp4, $3  }
0x66: {  	_ =	sdelay $0x1  }
0x67: {  	s19 =	sadd.s32 $0x2, s19;
	_ =	swait.ge [sflag:s18], $0x4000  }
0x68: {  	s16 =	sadd.s32 $0x100, s16;
	s15 =	sadd.s32 $0x100, s15;
	[sflag:s18] =	ssyncset.done $0x0  }
.LBB2_5:
0x69: {  	p0 =	sge.s32 s19, s14;
	s17 =	sadd.s32 $0xFFFFFFFF, s17;
	[sflag:s18] =	ssyncadd.s32 $0xFFFFC000  }
0x6a: {  	[tilespmem:s12], [sflag:$0x1] =	stream.indirect.gather [hbm4b:s4+s11], $0x80, s16, s11, $0xb8;
	[tilespmem:$0x16E80] =	vst v63  }
0x6b: {  	s20 =	simm.s32 @p0 $0x1;
	s18 =	simm.s32 @!p0 $0x4;
	p1 =	sne.s32 s17, $0x0  }
0x6c: {  	_ =	swait.ge @p0 [sflag:s20], $0x4000  }
0x6d: {  	s21 =	simm.s32 @!p0 $0x1;
	[sflag:s20] =	ssyncset.done @p0 $0x0  }
0x6e: {  	s22 =	simm.s32 @p0 $0xEE80;
	[sflag:s20] =	ssyncadd.s32 @p0 $0xFFFFC000;
	s20 =	simm.s32 @p0 $0x80  }
0x6f: {  	[hbm4b:s2+s20] =	stream.indirect.scatter @p0 [tilespmem:s22], [sflag:$0x3], $0x80, s15, s20, $0xb8;
	[tilespmem:$0x16E80] =	vst v63  }
0x70: {  	s23 =	simm.s32 @!p0 $0x12E80;
	s20 =	sadd.s32 @!p0 $0x80, s16;
	s22 =	simm.s32 @!p0 $0x80  }
0x71: {  	[tilespmem:s23], [sflag:$0x2] =	stream.indirect.gather @!p0 [hbm4b:s4+s22], $0x80, s20, s22, $0xb8;
	[tilespmem:$0x16E80] =	vst v63  }
0x72: {  	_ =	swait.ge @!p0 [sflag:s21], $0x4000  }
0x73: {  	[sflag:s21] =	ssyncset.done @!p0 $0x0  }
0x74: {  	s20 =	simm.s32 @!p0 $0xEE80;
	[sflag:s21] =	ssyncadd.s32 @!p0 $0xFFFFC000;
	s21 =	simm.s32 @!p0 $0x2  }
0x75: {  	[hbm4b:s2+s22] =	stream.indirect.scatter @!p0 [tilespmem:s20], [sflag:$0x3], $0x80, s15, s22, $0xb8;
	[tilespmem:$0x16E80] =	vst v63  }
0x76: {  	_ =	swait.ge @!p0 [sflag:s21], $0x4000  }
0x77: {  	[sflag:s21] =	ssyncset.done @!p0 $0x0  }
0x78: {  	s20 =	sadd.s32 @!p0 $0x80, s15;
	[sflag:s21] =	ssyncadd.s32 @!p0 $0xFFFFC000;
	s21 =	simm.s32 @!p0 $0x3  }
0x79: {  	[hbm4b:s2+s22] =	stream.indirect.scatter @!p0 [tilespmem:s23], [sflag:$0x4], $0x80, s20, s22, $0xb8;
	[tilespmem:$0x16E80] =	vst v63  }
.Ltmp5:
0x7a: {  	_ =	swait.ge @!p0 [sflag:s21], $0x4000;
	(pc) =	sbr.rel @p1 .LBB2_5-.Ltmp5, $4  }
0x7b: {  	[sflag:s21] =	ssyncset.done @!p0 $0x0  }
0x7c: {  	s18 =	simm.s32 @p0 $0x3;
	[sflag:s21] =	ssyncadd.s32 @!p0 $0xFFFFC000  }
0x7d: {  	s16 =	sadd.s32 $0x100, s16;
	_ =	swait.ge [sflag:s18], $0x4000  }
0x7e: {  	s19 =	sadd.s32 $0x2, s19;
	s15 =	sadd.s32 $0x100, s15;
	[sflag:s18] =	ssyncset.done $0x0  }
.Ltmp6:
0x7f: {  	_ = 	snop;
	(pc) =	sbr.rel .LBB2_6-.Ltmp6, $1  }
0x80: {  	_ =	sdelay $0x3  }
.LBB2_8:
0x81: {  	_ =	sfence.sel $0x180000  }
0x82: {  	[bflag:$0x0] =	sbarrier.arrive $0xFFFF  }
0x83: {  	p0 =	sne.s32 s0, $0x0;
	_ =	strace $0x9000004D  }
0x84: {  	s0 =	sadd.s32 @!p0 $0x100000, s1;
	[bflag:$0x2] =	sbarrier.arrive $0xFFFF  }
0x85: {  	[sflag:s0] =	ssyncadd.tile.s32 @!p0 $0x1;
	_ =	shalt  }
.Lfunc_end2:
_tile_overlayer_lowered:
.L_overlay_start_2:
0x86: {  	(tag) =	ssettag $0x2  }
0x87: {  	s0 =	rddreg [dreg:$0x0];
	s2 =	stileid.u32  }
0x88: {  	s1 =	rddreg [dreg:$0x1];
	p0 =	sne.s32 s2, $0x0  }
0x89: {  	s3 =	rddreg [dreg:$0x2];
	[bflag:$0x3] =	sbarrier.arrive $0xFFFF;
	s2 =	simm.s32 @!p0 $0x1C05  }
0x8a: {  	[timem:s3], [sflag:s2] =	dma.local @!p0 [hbm:s0], s1  }
0x8b: {  	s0 =	simm.s32 @!p0 $0x5  }
0x8c: {  	_ =	swait.ge @!p0 [sflag:s0], s1  }
0x8d: {  	s1 =	ssub.s32 @!p0 $0x0, s1;
	[sflag:s0] =	ssyncset.done @!p0 $0x0  }
0x8e: {  	[sflag:s0] =	ssyncadd.s32 @!p0 s1  }
0x8f: {  	[bflag:$0x3] =	sbarrier.arrive $0xFFFF  }
0x90: {  	_ =	shalt  }

// kernel: kernel.7.cloned.1.call-start
scs
__scs_entry_jumppad:
0x0: {  	(pc) =	sbr.rel $0x88, $3  }
0x1: {  	(tag) =	ssettag $0x0;
	lr =	simm.s32 $0x1  }
0x2: {  	[smem:$0x3F99] =	sst lr;
	_ =	strace $0xD0000000  }
0x3: {  	_ = 	snop  }
0x4: {  	_ = 	snop  }
0x5: {  	_ = 	snop  }
0x6: {  	_ = 	snop  }
0x7: {  	_ = 	snop  }
__scs_overlays_trampoline_lowered:
0x8: {  	[smem:$0x3FA8] =	sst s0  }
0x9: {  	[smem:$0x3FA9] =	sst s1  }
0xa: {  	[smem:$0x3FAA] =	sst s2  }
0xb: {  	[smem:$0x3FAB] =	sst s3  }
0xc: {  	[smem:$0x3FAC] =	sst s4  }
0xd: {  	[smem:$0x3FAD] =	sst s5  }
0xe: {  	[smem:$0x3FAE] =	sst s6  }
0xf: {  	[smem:$0x3FAF] =	sst s7  }
0x10: {  	[smem:$0x3FB0] =	sst s8  }
0x11: {  	[smem:$0x3FB1] =	sst s9;
	s0 =	simm.s32 @!p0 $0x0  }
0x12: {  	s1 =	sld [smem:$0x3F97];
	s0 =	simm.s32 @p0 $0x1  }
0x13: {  	[smem:$0x3FB2] =	sst s0;
	s0 =	simm.s32 @!p1 $0x0  }
0x14: {  	s2 =	sld [smem:$0x3F96];
	s0 =	simm.s32 @p1 $0x1  }
0x15: {  	[smem:$0x3FB3] =	sst s0;
	s0 =	simm.s32 @!p2 $0x0  }
0x16: {  	s3 =	sld [smem:$0x3FDB];
	s0 =	simm.s32 @p2 $0x1  }
0x17: {  	s4 =	simm.s32 $0x1BF5;
	[smem:$0x3FB5] =	sst s0  }
0x18: {  	s0 =	sld [smem:$0x3F98];
	_ =	swait.ge [sflag:s4], $0x0  }
0x19: {  	s7 =	sld [smem:$0x3F99]  }
0x1a: {  	s8 =	sadd.s32 $0xFFFFE003, lr  }
0x1b: {  	s9 =	sadd.s32 $0xFFFFFEF7, lr;
	s5 =	simm.s32 $0xFFFFFFFF;
	p2 =	slt.u32 s8, $0xFFFFF086  }
0x1c: {  	p1 =	slt.u32 s9, $0xF7A;
	s5 =	simm.s32 @!p2 $0x0  }
0x1d: {  	s5 =	simm.s32 @p1 $0x1;
	p0 =	seq.s32 s7, s2  }
0x1e: {  	s7 =	smul.u32 @!p0 $0xF7A, s2;
	p2 =	seq.s32 @!p0 s5, $0x0  }
0x1f: {  	s9 =	smul.u32 $0xF7A, s1;
	s8 =	simm.s32 @!p0 $0x1BF5;
	p2 =	por !p2, p0  }
0x20: {  	[sflag:s8] =	ssyncset.s32 @!p0 $0xFFFFF086;
	s6 =	sadd.s32 @!p0 s3, s7;
	s7 =	simm.s32 @!p0 $0x108  }
0x21: {  	s3 =	sadd.s32 s3, s9;
	s6 =	sadd.s32 @!p0 $0x88, s6;
	s7 =	simm.s32 @p2 $0x1082  }
0x22: {  	[simem:s7], [sflag:s8] =	dma.local @!p0 [hbm:s6], $0xF7A  }
0x23: {  	s9 =	sor.u32 $0xD0000000, s2;
	s6 =	simm.s32 $0x108;
	_ =	swait.ge @!p0 [sflag:s8], $0x0  }
0x24: {  	s3 =	sadd.s32 $0x88, s3;
	s6 =	simm.s32 @!p1 $0x1082;
	[sflag:s4] =	ssyncset.s32 $0xFFFFF086  }
0x25: {  	[simem:s6], [sflag:s4] =	dma.local [hbm:s3], $0xF7A  }
0x26: {  	[smem:$0x3F99] =	sst s1;
	(tag) =	ssettag s2;
	_ =	strace s9  }
0x27: {  	s1 =	sld [smem:$0x3FA9]  }
0x28: {  	s2 =	sld [smem:$0x3FAA]  }
0x29: {  	s4 =	sld [smem:$0x3FAC]  }
0x2a: {  	p0 =	seq.s32 s5, $0x0;
	s5 =	sld [smem:$0x3FAD]  }
0x2b: {  	s6 =	sld [smem:$0x3FAE]  }
0x2c: {  	s7 =	sld [smem:$0x3FAF]  }
0x2d: {  	s3 =	simm.s32 $0x108;
	s8 =	sld [smem:$0x3FB0]  }
0x2e: {  	s3 =	simm.s32 @!p0 $0x1082;
	s9 =	sld [smem:$0x3FB1]  }
0x2f: {  	lr =	sadd.s32 s0, s3;
	s0 =	sld [smem:$0x3FA8]  }
0x30: {  	s3 =	sld [smem:$0x3FAB]  }
0x31: {  	[smem:$0x3FB4] =	sst s10  }
0x32: {  	s10 =	sld [smem:$0x3FB2];
	_ =	sdelay $0x3  }
0x33: {  	p0 =	seq.s32 s10, $0x1;
	s10 =	sld [smem:$0x3FB4];
	_ =	sdelay $0x3  }
0x34: {  	[smem:$0x3FB4] =	sst s10  }
0x35: {  	s10 =	sld [smem:$0x3FB3];
	_ =	sdelay $0x3  }
0x36: {  	p1 =	seq.s32 s10, $0x1;
	s10 =	sld [smem:$0x3FB4];
	_ =	sdelay $0x3  }
0x37: {  	[smem:$0x3FB4] =	sst s10  }
0x38: {  	s10 =	sld [smem:$0x3FB5]  }
0x39: {  	_ = 	snop;
	(pc) =	sbr.ind lr, $3  }
0x3a: {  	_ = 	snop  }
0x3b: {  	_ = 	snop  }
0x3c: {  	p2 =	seq.s32 s10, $0x1;
	s10 =	sld [smem:$0x3FB4]  }
0x3d: {  	_ =	shalt  }
0x3e: {  	_ =	shalt  }
0x3f: {  	_ =	shalt  }
0x40: {  	_ =	shalt  }
0x41: {  	_ =	shalt  }
0x42: {  	_ =	shalt  }
0x43: {  	_ =	shalt  }
0x44: {  	_ =	shalt  }
0x45: {  	_ =	shalt  }
0x46: {  	_ =	shalt  }
0x47: {  	_ =	shalt  }
0x48: {  	_ =	shalt  }
0x49: {  	_ =	shalt  }
0x4a: {  	_ =	shalt  }
0x4b: {  	_ =	shalt  }
0x4c: {  	_ =	shalt  }
0x4d: {  	_ =	shalt  }
0x4e: {  	_ =	shalt  }
0x4f: {  	_ =	shalt  }
0x50: {  	_ =	shalt  }
0x51: {  	_ =	shalt  }
0x52: {  	_ =	shalt  }
0x53: {  	_ =	shalt  }
0x54: {  	_ =	shalt  }
0x55: {  	_ =	shalt  }
0x56: {  	_ =	shalt  }
0x57: {  	_ =	shalt  }
0x58: {  	_ =	shalt  }
0x59: {  	_ =	shalt  }
0x5a: {  	_ =	shalt  }
0x5b: {  	_ =	shalt  }
0x5c: {  	_ =	shalt  }
0x5d: {  	_ =	shalt  }
0x5e: {  	_ =	shalt  }
0x5f: {  	_ =	shalt  }
0x60: {  	_ =	shalt  }
0x61: {  	_ =	shalt  }
0x62: {  	_ =	shalt  }
0x63: {  	_ =	shalt  }
0x64: {  	_ =	shalt  }
0x65: {  	_ =	shalt  }
0x66: {  	_ =	shalt  }
0x67: {  	_ =	shalt  }
0x68: {  	_ =	shalt  }
0x69: {  	_ =	shalt  }
0x6a: {  	_ =	shalt  }
0x6b: {  	_ =	shalt  }
0x6c: {  	_ =	shalt  }
0x6d: {  	_ =	shalt  }
0x6e: {  	_ =	shalt  }
0x6f: {  	_ =	shalt  }
0x70: {  	_ =	shalt  }
0x71: {  	_ =	shalt  }
0x72: {  	_ =	shalt  }
0x73: {  	_ =	shalt  }
0x74: {  	_ =	shalt  }
0x75: {  	_ =	shalt  }
0x76: {  	_ =	shalt  }
0x77: {  	_ =	shalt  }
0x78: {  	_ =	shalt  }
0x79: {  	_ =	shalt  }
0x7a: {  	_ =	shalt  }
0x7b: {  	_ =	shalt  }
0x7c: {  	_ =	shalt  }
0x7d: {  	_ =	shalt  }
0x7e: {  	_ =	shalt  }
0x7f: {  	_ =	shalt  }
0x80: {  	_ =	shalt  }
0x81: {  	_ =	shalt  }
0x82: {  	_ =	shalt  }
0x83: {  	_ =	shalt  }
0x84: {  	_ =	shalt  }
0x85: {  	_ =	shalt  }
0x86: {  	_ =	shalt  }
0x87: {  	_ =	shalt  }
.Lfunc_end0:
.L_simem_size_0:
called_computation_lowered:
.L_overlay_start_0:
0x88: {  	s2 =	sld [smem:$0x3FD9]  }
0x89: {  	s3 =	sld [smem:$0x3FFE];
	_ =	sdelay $0x1  }
0x8a: {  	s1 =	srdreg.scid  }
0x8b: {  	s0 =	sand.u32 $0x1, s1  }
0x8c: {  	s17 =	sshll.u32 s0, $0xA;
	s2 =	sadd.s32 s3, s2  }
0x8d: {  	s2 =	sadd.s32 s2, s17  }
0x8e: {  	[smem:$0x3FC0] =	sst s2  }
0x8f: {  	_ = 	snop  }
0x90: {  	s2 =	sld [smem:$0x3FC9]  }
0x91: {  	s18 =	sld [smem:$0x3FC8]  }
0x92: {  	s4 =	sld [smem:$0x3FC6];
	(tm) =	ssettm $0x1  }
0x93: {  	s5 =	sld [smem:$0x3FFB];
	_ =	sdelay $0x3  }
0x94: {  	_ =	strace s5  }
0x95: {  	s5 =	sld [smem:$0x3FFC];
	_ =	sdelay $0x3  }
0x96: {  	_ =	strace s5  }
0x97: {  	s5 =	sld [smem:$0x3FFD];
	_ =	sdelay $0x3  }
0x98: {  	_ =	strace s5  }
0x99: {  	_ =	strace $0x8FFFFFFF  }
0x9a: {  	s19 =	sld [smem:$0x3FDB];
	_ =	sdelay $0x1  }
0x9b: {  	s6 =	simm.s32 $_scs_section_size  }
0x9c: {  	s7 =	simm.s32 $_size__tile_overlayer_lowered;
	s8 =	simm.s32 $_tile_overlayer_lowered  }
0x9d: {  	s22 =	simm.s32 $0x1BFF;
	s21 =	sshll.u32 s8, $0x1;
	s5 =	sadd.s32 s6, s19  }
0x9e: {  	s9 =	simm.s32 $0x0;
	s20 =	sshll.u32 s7, $0x1;
	s7 =	sadd.s32 s21, s5  }
0x9f: {  	[timem:s9], [sflag:s22] =	dma.local [hbm:s7], s20  }
0xa0: {  	_ =	swait.ge [sflag:s22], s20  }
0xa1: {  	s6 =	ssub.s32 $0x0, s20;
	[sflag:s22] =	ssyncset.done $0x0  }
0xa2: {  	[sflag:s22] =	ssyncadd.s32 s6;
	_ =	sdelay $0x1  }
0xa3: {  	s23 =	simm.s32 $0x1B8B  }
0xa4: {  	_ =	swait.ge [sflag:s23], $0x1  }
0xa5: {  	[sflag:s23] =	ssyncset.done $0x0  }
0xa6: {  	s25 =	simm.s32 $0x1B8E;
	s24 =	sld [smem:$0x3FFE];
	[sflag:s23] =	ssyncadd.s32 $0xFFFFFFFF  }
0xa7: {  	s26 =	simm.s32 $execute0_lowered;
	[smem:$0x3FD2] =	sst s25  }
0xa8: {  	s7 =	sshll.u32 s26, $0x1;
	_ =	strace $0x80000046;
	[dreg:$0x1] =	wrdreg $0xFFFFFFFF  }
0xa9: {  	s28 =	simm.s32 $_size_execute0_lowered;
	s5 =	sadd.s32 s5, s7;
	[dreg:$0x0] =	wrdreg $0x0  }
0xaa: {  	s7 =	sshll.u32 s28, $0x1;
	[dreg:$0x2] =	wrdreg s5  }
0xab: {  	[dreg:$0x3] =	wrdreg s7  }
0xac: {  	[dreg:$0x4] =	wrdreg $0xC0  }
0xad: {  	_ =	task [dreg:s9], $0x5FFFF  }
0xae: {  	[dreg:$0x1] =	wrdreg $0xFFFFFFFF  }
0xaf: {  	[dreg:$0x0] =	wrdreg $0x60  }
0xb0: {  	[dreg:$0x2] =	wrdreg s18  }
0xb1: {  	[dreg:$0x3] =	wrdreg s2  }
0xb2: {  	[dreg:$0x4] =	wrdreg s24  }
0xb3: {  	[dreg:$0x5] =	wrdreg s4  }
0xb4: {  	[dreg:$0x6] =	wrdreg $0x9  }
0xb5: {  	_ =	task.clear_ibuf [dreg:s9], $0x7FFFF;
	_ =	strace $0x90000046  }
0xb6: {  	s29 =	simm.s32 $0x9;
	_ =	strace $0x80000048  }
0xb7: {  	_ =	swait.ge [sflag:s29], $0x1  }
0xb8: {  	[sflag:s29] =	ssyncadd.s32 $0xFFFFFFFF  }
0xb9: {  	_ =	strace $0x90000048  }
0xba: {  	_ =	sfence  }
0xbb: {  	s30 =	sld [smem:$0x0];
	_ =	sdelay $0x2  }
0xbc: {  	s31 =	sshll.u32 s1, $0xD;
	s1 =	sshrl.u32 s1, $0x2  }
0xbd: {  	s3 =	sand.u32 $0x4000, s31;
	s1 =	sadd.s32 s1, s30  }
0xbe: {  	s0 =	sor.u32 s3, s0;
	s1 =	sshll.u32 s1, $0x11  }
0xbf: {  	s0 =	sor.u32 s1, s0  }
0xc0: {  	s0 =	sadd.s32 $0x8F2B, s0  }
0xc1: {  	[sflag:s0] =	ssyncadd.remote.s32 $0x1  }
0xc2: {  	_ =	sfence.sel $0xFFFF  }
0xc3: {  	[dreg:$0x0] =	wrdreg $0xFFFFFFFF;
	(pc) =	sbr.abs _section_cstart, $3  }
0xc4: {  	[dreg:$0x1] =	wrdreg $0xFFFFFFFF  }
0xc5: {  	_ =	task.clear_ibuf [dreg:s9], $0x2FFFF;
	_ =	strace $0x9FFFFFFF  }
0xc6: {  	(tm) =	ssettm $0x7FFFFFFF  }
0xc7: {  	_ =	shalt  }
tec
execute0_lowered:
.L_overlay_start_1:
0x0: {  	(tag) =	ssettag $0x1  }
0x1: {  	s1 =	rddreg [dreg:$0x0]  }
0x2: {  	s2 =	rddreg [dreg:$0x1];
	s0 =	srdreg.scid  }
0x3: {  	s14 =	stileid.u32;
	s3 =	rddreg [dreg:$0x2]  }
0x4: {  	s5 =	rddreg [dreg:$0x3];
	s15 =	simm.s32 $0x5;
	s16 =	simm.s32 $0x2780  }
0x5: {  	s17 =	simm.s32 $0x4F00;
	s18 =	simm.s32 $0x50;
	s19 =	simm.s32 $0x7680  }
0x6: {  	s20 =	simm.s32 $0x9E80;
	s28 =	simm.s32 $0x1;
	s29 =	simm.s32 $0x2  }
0x7: {  	s30 =	simm.s32 $0x3;
	s31 =	simm.s32 $0x4;
	s0 =	sand.u32 $0x1, s0  }
0x8: {  	s4 =	sshll.u32 s14, $0x1;
	s12 =	sadd.s32 $0x14E00, s3;
	s26 =	smul.u32 $0x4E200, s14  }
0x9: {  	s6 =	sor.u32 s0, s4;
	s9 =	ssub.s32 $0x2, s0;
	s0 =	smul.u32 $0x27100, s0  }
0xa: {  	s13 =	sadd.s32 $0x4F6E00, s3;
	s4 =	simm.s32 $0x0;
	s7 =	smul.u32 $0x2710, s6  }
0xb: {  	[smem:$0x7FF] =	sst s4;
	s6 =	smul.u32 $0x138800, s6;
	s10 =	sshrl.u32 s9, $0x1  }
0xc: {  	_ =	strace $0x80000047;
	s11 =	ssub.s32 s9, s10;
	s7 =	sshrl.u32 s7, $0x3  }
0xd: {  	s21 =	sshrl.u32 s6, $0x3;
	s11 =	smax.u32 s11, $0x1;
	s8 =	sadd.s32 s7, s3  }
0xe: {  	s3 =	sadd.s32 $0x9D8E00, s3;
	s24 =	sadd.s32 $0x26C00, s21;
	s5 =	sadd.s32 s5, s7  }
0xf: {  	s21 =	simm.s32 $0xC680;
	s22 =	sadd.s32 $0xB000, s8;
	s23 =	sadd.s32 $0x1200, s8  }
0x10: {  	[dreg:$0x7] =	wrdreg s5;
	s25 =	sadd.s32 s12, s24;
	s9 =	sadd.s32 s13, s24  }
.Ltmp0:
0x11: {  	s10 =	sadd.s32 s3, s24;
	s12 =	sadd.s32 s26, s12;
	(pc) =	sbr.rel .LBB2_1-.Ltmp0, $4  }
0x12: {  	s13 =	sadd.s32 s26, s13;
	s3 =	sadd.s32 s26, s3;
	[dreg:$0x5] =	wrdreg s22  }
0x13: {  	s24 =	simm.s32 $0x11680;
	s26 =	simm.s32 $0x13E80;
	[dreg:$0x6] =	wrdreg s23  }
0x14: {  	[dreg:$0x8] =	wrdreg s25;
	s12 =	sadd.s32 s0, s12;
	s13 =	sadd.s32 s0, s13  }
0x15: {  	s14 =	sadd.s32 s0, s3;
	s22 =	simm.s32 $0xEE80;
	s3 =	simm.s32 $0x0  }
.LBB2_4:
0x16: {  	_ =	swait.ge [sflag:s28], $0x2800  }
0x17: {  	[sflag:s28] =	ssyncset.done $0x0  }
0x18: {  	[sflag:s28] =	ssyncadd.s32 $0xFFFFD800  }
0x19: {  	_ =	swait.ge [sflag:s28], $0x2800  }
0x1a: {  	[sflag:s28] =	ssyncset.done $0x0  }
0x1b: {  	[sflag:s28] =	ssyncadd.s32 $0xFFFFD800  }
0x1c: {  	_ =	swait.ge [sflag:s28], $0x2800  }
0x1d: {  	[sflag:s28] =	ssyncset.done $0x0  }
0x1e: {  	s0 =	rddreg [dreg:$0x8];
	[sflag:s28] =	ssyncadd.s32 $0xFFFFD800  }
0x1f: {  	[hbm4b:s0+s4] =	stream.linear.scatter [tilespmem:s19], [sflag:$0x3], $0x2800, $0x38;
	[tilespmem:$0x16680] =	vst v63  }
0x20: {  	_ = 	snop  }
0x21: {  	[hbm4b:s9+s4] =	stream.linear.scatter [tilespmem:s20], [sflag:$0x3], $0x2800, $0x38;
	[tilespmem:$0x16680] =	vst v63  }
0x22: {  	_ = 	snop  }
0x23: {  	[hbm4b:s10+s4] =	stream.linear.scatter [tilespmem:s21], [sflag:$0x3], $0x2800, $0x38;
	[tilespmem:$0x16680] =	vst v63  }
0x24: {  	_ =	swait.ge [sflag:s30], $0x2800  }
0x25: {  	[sflag:s30] =	ssyncset.done $0x0  }
0x26: {  	s3 =	sadd.s32 $0x1, s3;
	[sflag:s30] =	ssyncadd.s32 $0xFFFFD800  }
0x27: {  	p0 =	sne.s32 s3, s11;
	_ =	swait.ge [sflag:s30], $0x2800  }
.Ltmp1:
0x28: {  	[sflag:s30] =	ssyncset.done $0x0;
	(pc) =	sbr.rel @!p0 .LBB2_5-.Ltmp1, $4  }
0x29: {  	[sflag:s30] =	ssyncadd.s32 $0xFFFFD800  }
0x2a: {  	_ =	swait.ge [sflag:s30], $0x2800  }
0x2b: {  	[sflag:s30] =	ssyncset.done $0x0  }
0x2c: {  	[sflag:s30] =	ssyncadd.s32 $0xFFFFD800  }
.LBB2_1:
0x2d: {  	s0 =	rddreg [dreg:$0x5]  }
0x2e: {  	[tilespmem:s4], [sflag:$0x5] =	stream.linear.gather [hbm4b:s0+s4], $0x2710, $0x38;
	[tilespmem:$0x16680] =	vst v63  }
0x2f: {  	_ =	swait.ge [sflag:s15], $0x2710  }
0x30: {  	[sflag:s15] =	ssyncset.done $0x0  }
0x31: {  	s7 =	rddreg [dreg:$0x6];
	[sflag:s15] =	ssyncadd.s32 $0xFFFFD8F0  }
0x32: {  	[tilespmem:s16], [sflag:$0x5] =	stream.linear.gather [hbm4b:s7+s4], $0x2710, $0x38;
	[tilespmem:$0x16680] =	vst v63  }
0x33: {  	_ =	swait.ge [sflag:s15], $0x2710  }
0x34: {  	[sflag:s15] =	ssyncset.done $0x0  }
0x35: {  	s8 =	rddreg [dreg:$0x7];
	[sflag:s15] =	ssyncadd.s32 $0xFFFFD8F0  }
0x36: {  	[tilespmem:s17], [sflag:$0x5] =	stream.linear.gather [hbm4b:s8+s4], $0x2710, $0x38;
	[tilespmem:$0x16680] =	vst v63  }
0x37: {  	_ =	swait.ge [sflag:s15], $0x2710  }
0x38: {  	[sflag:s15] =	ssyncset.done $0x0  }
0x39: {  	[sflag:s15] =	ssyncadd.s32 $0xFFFFD8F0  }
0x3a: {  	[tilespmem:s19], [sflag:$0x1] =	stream.indirect.gather [hbm4b:s1+s18], $0x80, s4, s18, $0xb8;
	[tilespmem:$0x16680] =	vst v63  }
0x3b: {  	_ = 	snop  }
0x3c: {  	[tilespmem:s20], [sflag:$0x1] =	stream.indirect.gather [hbm4b:s1+s18], $0x80, s16, s18, $0xb8;
	[tilespmem:$0x16680] =	vst v63  }
0x3d: {  	_ = 	snop  }
0x3e: {  	[tilespmem:s21], [sflag:$0x1] =	stream.indirect.gather [hbm4b:s2+s18], $0x80, s17, s18, $0xb8;
	[tilespmem:$0x16680] =	vst v63  }
0x3f: {  	_ = 	snop  }
0x40: {  	[tilespmem:s22], [sflag:$0x2] =	stream.indirect.gather [hbm4b:s1+s18], $0x80, s18, s18, $0xb8;
	[tilespmem:$0x16680] =	vst v63  }
0x41: {  	s23 =	simm.s32 $0x27D0  }
0x42: {  	[tilespmem:s24], [sflag:$0x2] =	stream.indirect.gather [hbm4b:s1+s18], $0x80, s23, s18, $0xb8;
	[tilespmem:$0x16680] =	vst v63  }
0x43: {  	s25 =	simm.s32 $0x4F50;
	s5 =	simm.s32 $0x0  }
0x44: {  	[tilespmem:s26], [sflag:$0x2] =	stream.indirect.gather [hbm4b:s2+s18], $0x80, s25, s18, $0xb8;
	[tilespmem:$0x16680] =	vst v63  }
0x45: {  	s0 =	simm.s32 $0xF0;
	s23 =	simm.s32 $0x2870;
	s25 =	simm.s32 $0x4FF0  }
.LBB2_2:
0x46: {  	_ =	swait.ge [sflag:s28], $0x2800  }
0x47: {  	[sflag:s28] =	ssyncset.done $0x0  }
0x48: {  	[sflag:s28] =	ssyncadd.s32 $0xFFFFD800  }
0x49: {  	_ =	swait.ge [sflag:s28], $0x2800  }
0x4a: {  	[sflag:s28] =	ssyncset.done $0x0  }
0x4b: {  	[sflag:s28] =	ssyncadd.s32 $0xFFFFD800  }
0x4c: {  	_ =	swait.ge [sflag:s28], $0x2800  }
0x4d: {  	[sflag:s28] =	ssyncset.done $0x0  }
0x4e: {  	s6 =	sadd.s32 s5, s12;
	[sflag:s28] =	ssyncadd.s32 $0xFFFFD800  }
0x4f: {  	[hbm4b:s6+s4] =	stream.linear.scatter [tilespmem:s19], [sflag:$0x3], $0x2800, $0x38;
	[tilespmem:$0x16680] =	vst v63  }
0x50: {  	s7 =	sadd.s32 s5, s13  }
0x51: {  	[hbm4b:s7+s4] =	stream.linear.scatter [tilespmem:s20], [sflag:$0x3], $0x2800, $0x38;
	[tilespmem:$0x16680] =	vst v63  }
0x52: {  	s8 =	sadd.s32 s5, s14  }
0x53: {  	[hbm4b:s8+s4] =	stream.linear.scatter [tilespmem:s21], [sflag:$0x3], $0x2800, $0x38;
	[tilespmem:$0x16680] =	vst v63  }
0x54: {  	_ =	swait.ge [sflag:s29], $0x2800  }
0x55: {  	[sflag:s29] =	ssyncset.done $0x0  }
0x56: {  	[sflag:s29] =	ssyncadd.s32 $0xFFFFD800  }
0x57: {  	_ =	swait.ge [sflag:s29], $0x2800  }
0x58: {  	[sflag:s29] =	ssyncset.done $0x0  }
0x59: {  	[sflag:s29] =	ssyncadd.s32 $0xFFFFD800  }
0x5a: {  	_ =	swait.ge [sflag:s29], $0x2800  }
0x5b: {  	[sflag:s29] =	ssyncset.done $0x0  }
0x5c: {  	s6 =	sadd.s32 $0x500, s6;
	[sflag:s29] =	ssyncadd.s32 $0xFFFFD800  }
0x5d: {  	[hbm4b:s6+s4] =	stream.linear.scatter [tilespmem:s22], [sflag:$0x4], $0x2800, $0x38;
	[tilespmem:$0x16680] =	vst v63  }
0x5e: {  	s7 =	sadd.s32 $0x500, s7  }
0x5f: {  	[hbm4b:s7+s4] =	stream.linear.scatter [tilespmem:s24], [sflag:$0x4], $0x2800, $0x38;
	[tilespmem:$0x16680] =	vst v63  }
0x60: {  	s7 =	sadd.s32 $0x500, s8  }
0x61: {  	[hbm4b:s7+s4] =	stream.linear.scatter [tilespmem:s26], [sflag:$0x4], $0x2800, $0x38;
	[tilespmem:$0x16680] =	vst v63  }
0x62: {  	_ =	swait.ge [sflag:s30], $0x2800  }
0x63: {  	[sflag:s30] =	ssyncset.done $0x0  }
0x64: {  	[sflag:s30] =	ssyncadd.s32 $0xFFFFD800  }
0x65: {  	_ =	swait.ge [sflag:s30], $0x2800  }
0x66: {  	[sflag:s30] =	ssyncset.done $0x0  }
0x67: {  	[sflag:s30] =	ssyncadd.s32 $0xFFFFD800  }
0x68: {  	_ =	swait.ge [sflag:s30], $0x2800  }
0x69: {  	[sflag:s30] =	ssyncset.done $0x0  }
0x6a: {  	s8 =	sadd.s32 $0xFFFFFFB0, s0;
	[sflag:s30] =	ssyncadd.s32 $0xFFFFD800  }
0x6b: {  	[tilespmem:s19], [sflag:$0x1] =	stream.indirect.gather [hbm4b:s1+s18], $0x80, s8, s18, $0xb8;
	[tilespmem:$0x16680] =	vst v63  }
0x6c: {  	s7 =	sadd.s32 $0xFFFFFFB0, s23  }
0x6d: {  	[tilespmem:s20], [sflag:$0x1] =	stream.indirect.gather [hbm4b:s1+s18], $0x80, s7, s18, $0xb8;
	[tilespmem:$0x16680] =	vst v63  }
0x6e: {  	s8 =	sadd.s32 $0xFFFFFFB0, s25  }
0x6f: {  	[tilespmem:s21], [sflag:$0x1] =	stream.indirect.gather [hbm4b:s2+s18], $0x80, s8, s18, $0xb8;
	[tilespmem:$0x16680] =	vst v63  }
0x70: {  	_ =	swait.ge [sflag:s31], $0x2800  }
0x71: {  	[sflag:s31] =	ssyncset.done $0x0  }
0x72: {  	[sflag:s31] =	ssyncadd.s32 $0xFFFFD800  }
0x73: {  	p0 =	seq.s32 s5, $0x26200;
	_ =	swait.ge [sflag:s31], $0x2800  }
.Ltmp2:
0x74: {  	[sflag:s31] =	ssyncset.done $0x0;
	(pc) =	sbr.rel @p0 .LBB2_4-.Ltmp2, $4  }
0x75: {  	[sflag:s31] =	ssyncadd.s32 $0xFFFFD800  }
0x76: {  	_ =	swait.ge [sflag:s31], $0x2800  }
0x77: {  	[sflag:s31] =	ssyncset.done $0x0  }
0x78: {  	[sflag:s31] =	ssyncadd.s32 $0xFFFFD800  }
0x79: {  	[tilespmem:s22], [sflag:$0x2] =	stream.indirect.gather [hbm4b:s1+s18], $0x80, s0, s18, $0xb8;
	[tilespmem:$0x16680] =	vst v63  }
.Ltmp3:
0x7a: {  	_ = 	snop;
	(pc) =	sbr.rel .LBB2_2-.Ltmp3, $4  }
0x7b: {  	[tilespmem:s24], [sflag:$0x2] =	stream.indirect.gather [hbm4b:s1+s18], $0x80, s23, s18, $0xb8;
	[tilespmem:$0x16680] =	vst v63  }
0x7c: {  	s5 =	sadd.s32 $0xA00, s5  }
0x7d: {  	[tilespmem:s26], [sflag:$0x2] =	stream.indirect.gather [hbm4b:s2+s18], $0x80, s25, s18, $0xb8;
	[tilespmem:$0x16680] =	vst v63  }
0x7e: {  	s0 =	sadd.s32 $0xA0, s0;
	s23 =	sadd.s32 $0xA0, s23;
	s25 =	sadd.s32 $0xA0, s25  }
.LBB2_5:
0x7f: {  	_ =	sfence.sel $0x180000  }
0x80: {  	[bflag:$0x0] =	sbarrier.arrive $0xFFFF  }
0x81: {  	_ =	strace $0x90000047  }
0x82: {  	s0 =	stileid.u32;
	[bflag:$0x2] =	sbarrier.arrive $0xFFFF  }
0x83: {  	p0 =	sne.s32 s0, $0x0;
	s0 =	rddreg [dreg:$0x4]  }
0x84: {  	s0 =	sadd.s32 @!p0 $0x100000, s0  }
0x85: {  	[sflag:s0] =	ssyncadd.tile.s32 @!p0 $0x1;
	_ =	shalt  }
.Lfunc_end2:
_tile_overlayer_lowered:
.L_overlay_start_2:
0x86: {  	(tag) =	ssettag $0x2  }
0x87: {  	s0 =	rddreg [dreg:$0x0];
	s2 =	stileid.u32  }
0x88: {  	s1 =	rddreg [dreg:$0x1];
	p0 =	sne.s32 s2, $0x0  }
0x89: {  	s3 =	rddreg [dreg:$0x2];
	[bflag:$0x3] =	sbarrier.arrive $0xFFFF;
	s2 =	simm.s32 @!p0 $0x1C05  }
0x8a: {  	[timem:s3], [sflag:s2] =	dma.local @!p0 [hbm:s0], s1  }
0x8b: {  	s0 =	simm.s32 @!p0 $0x5  }
0x8c: {  	_ =	swait.ge @!p0 [sflag:s0], s1  }
0x8d: {  	s1 =	ssub.s32 @!p0 $0x0, s1;
	[sflag:s0] =	ssyncset.done @!p0 $0x0  }
0x8e: {  	[sflag:s0] =	ssyncadd.s32 @!p0 s1  }
0x8f: {  	[bflag:$0x3] =	sbarrier.arrive $0xFFFF  }
0x90: {  	_ =	shalt  }

</sc_bundles>
